<compile_context>
chip_gen: v7x
topology: tpu7x:2x2x1
jax: 0.10.2.dev20260603
libtpu: 0.0.44.dev20260713+nightly
codegen_flags: <defaults>
</compile_context>

<pallas_src>
import functools

import jax
import jax.numpy as jnp
from jax import lax
from jax.experimental import pallas as pl
from jax.experimental.pallas import tpu as pltpu
from jax.experimental.pallas import tpu_sc as plsc

_NC = 512
_T = 256
_TK = 256
_DS = 128


def _ln(x, g, b):
    m = jnp.mean(x, axis=-1, keepdims=True)
    v = jnp.mean((x - m) * (x - m), axis=-1, keepdims=True)
    return (x - m) * jax.lax.rsqrt(v + 1e-5) * g + b



def _sc_body(pos_hbm, idxl_hbm, idxg_hbm, zeros_hbm, sums_hbm, cogg_hbm,
             pos_v, idxl_v, idxg_v, rows_v, acc32_v, sem, acc_sh):
    c = lax.axis_index("c")
    s = lax.axis_index("s")

    @pl.when(s == 0)
    def _():
        pltpu.sync_copy(zeros_hbm, acc_sh)
    plsc.subcore_barrier()

    base = c * 32 + s * 2
    pltpu.sync_copy(pos_hbm.at[pl.ds(base * 128, 256)], pos_v)
    pltpu.sync_copy(idxl_hbm.at[pl.ds(base, 2)], idxl_v)
    pltpu.sync_copy(idxg_hbm.at[pl.ds(base, 2)], idxg_v)
    for j in range(2):
        pltpu.sync_copy(pos_v.at[pl.ds(j * 128, 128)],
                        acc_sh.at[idxl_v.at[j]], add=True)
    plsc.subcore_barrier()

    pltpu.sync_copy(acc_sh.at[pl.ds(s * 32, 32)], acc32_v)
    pltpu.sync_copy(acc32_v, sums_hbm.at[pl.ds(c * _NC + s * 32, 32)])
    plsc.subcore_barrier()
    for j in range(2):
        pltpu.async_copy(sums_hbm.at[idxg_v.at[j]], rows_v, sem).wait()
        pltpu.sync_copy(rows_v, cogg_hbm.at[pl.ds((base + j) * 128, 128)])


def _sc_segment(pos16, idx_local, idx_global, zeros):
    BN = pos16.shape[0]
    mesh = plsc.VectorSubcoreMesh(core_axis_name="c", subcore_axis_name="s")
    f32 = jnp.float32
    run = pl.kernel(
        _sc_body,
        mesh=mesh,
        out_type=[jax.ShapeDtypeStruct((2 * _NC, _DS), f32),
                  jax.ShapeDtypeStruct((BN, _DS), f32)],
        scratch_types=[
            pltpu.VMEM((256, _DS), f32),
            pltpu.VMEM((2, 128), jnp.int32),
            pltpu.VMEM((2, 128), jnp.int32),
            pltpu.VMEM((128, _DS), f32),
            pltpu.VMEM((32, _DS), f32),
            pltpu.SemaphoreType.DMA,
            pltpu.VMEM_SHARED((_NC, _DS), f32),
        ],
    )
    _, cogg = run(pos16, idx_local, idx_global, zeros)
    return cogg



def _tc_body(pos_ref, cogg_ref, feat_ref, cidr_ref, cidc_ref, jlo_ref, jhi_ref,
             w1a_ref, w1an_ref, b1a_ref, g1a_ref, be1a_ref,
             w1br_ref, w1bf_ref, b1b_ref, g1b_ref, be1b_ref,
             w2a_ref, b2a_ref, g2a_ref, be2a_ref,
             w2br_ref, w2bf_ref, b2b_ref, g2b_ref, be2b_ref,
             wq_ref, wk_ref, wv_ref, wo_ref, bo_ref, gl_ref, bl_ref,
             out_ref,
             hpos_ref, q_ref, k_ref, v_ref, acc_ref, m_ref, l_ref):
    N = pos_ref.shape[1]
    NT = N // _T
    b = pl.program_id(0)
    f32 = jnp.float32

    def dot(a, bb, dims):
        return lax.dot_general(a, bb, (dims, ((), ())),
                               preferred_element_type=f32)

    def p1_tile(t):
        sl = pl.ds(t * _T, _T)
        pt = pos_ref[0, sl, :]
        cg = cogg_ref[0, sl, :]
        cnt = jnp.maximum(cg[:, 3:4], 1.0)
        lp = pt - cg / cnt
        n = jnp.sqrt(jnp.sum(lp * lp, axis=1, keepdims=True))
        x1 = dot(lp, w1a_ref[...], ((1,), (0,))) + n * w1an_ref[...] + b1a_ref[...]
        r = jax.nn.relu(_ln(x1, g1a_ref[...], be1a_ref[...]))
        ft = feat_ref[0, sl, :]
        h1 = (dot(r, w1br_ref[...], ((1,), (0,)))
              + dot(ft, w1bf_ref[...], ((1,), (0,))) + b1b_ref[...])
        hpos = jax.nn.relu(_ln(h1, g1b_ref[...], be1b_ref[...]))
        x2 = dot(lp, w2a_ref[...], ((1,), (0,))) + b2a_ref[...]
        rh = jax.nn.relu(_ln(x2, g2a_ref[...], be2a_ref[...]))
        h2 = (dot(rh, w2br_ref[...], ((1,), (0,)))
              + dot(ft, w2bf_ref[...], ((1,), (0,))) + b2b_ref[...])
        hgeo = jax.nn.relu(_ln(h2, g2b_ref[...], be2b_ref[...]))
        hpos_ref[sl, :] = hpos
        q_ref[sl, :] = dot(hgeo, wq_ref[...], ((1,), (0,))) * (1.0 / 16.0)
        k_ref[sl, :] = dot(hgeo, wk_ref[...], ((1,), (0,)))
        v_ref[sl, :] = dot(hpos, wv_ref[...], ((1,), (0,)))

    def p1(t, _):
        p1_tile(2 * t)
        p1_tile(2 * t + 1)
        return 0

    lax.fori_loop(0, NT // 2, p1, 0)

    NTK = N // _TK
    def p2(t, _):
        sl = pl.ds(t * _T, _T)
        cq = cidc_ref[0, sl, :]
        qt = q_ref[sl, :]
        j0 = jnp.minimum(jlo_ref[b, t], NTK - 2)
        off0 = pl.multiple_of(j0 * _TK, _TK)
        ksl0 = pl.ds(off0, 2 * _TK)
        s0 = dot(qt, k_ref[ksl0, :], ((1,), (1,)))
        ck0 = cidr_ref[0, :, ksl0]
        s0 = jnp.where(cq == ck0, s0, -1e30)
        m0 = jnp.maximum(jnp.max(s0, axis=1, keepdims=True), -1e20)
        p0 = jnp.exp(s0 - m0)
        m_ref[...] = m0
        l_ref[...] = jnp.sum(p0, axis=1, keepdims=True)
        acc_ref[...] = dot(p0, v_ref[ksl0, :], ((1,), (0,)))

        def jb(j, _):
            off = pl.multiple_of(j * _TK, _TK)
            ksl = pl.ds(off, _TK)
            s = dot(qt, k_ref[ksl, :], ((1,), (1,)))
            ck = cidr_ref[0, :, ksl]
            s = jnp.where(cq == ck, s, -1e30)
            mprev = m_ref[...]
            mnew = jnp.maximum(mprev, jnp.max(s, axis=1, keepdims=True))
            p = jnp.exp(s - mnew)
            alpha = jnp.exp(mprev - mnew)
            l_ref[...] = l_ref[...] * alpha + jnp.sum(p, axis=1, keepdims=True)
            acc_ref[...] = acc_ref[...] * alpha + dot(p, v_ref[ksl, :], ((1,), (0,)))
            m_ref[...] = mnew
            return 0

        lax.fori_loop(jlo_ref[b, t] + 2, jhi_ref[b, t] + 1, jb, 0)
        o = acc_ref[...] / l_ref[...]
        attn = dot(o, wo_ref[...], ((1,), (0,))) + bo_ref[...]
        y = hpos_ref[sl, :] + attn
        out_ref[0, sl, :] = _ln(y, gl_ref[...], bl_ref[...])
        return 0

    lax.fori_loop(0, NT, p2, 0)


def kernel(pos, feat, cluster_ids, W1a, b1a, g1a, be1a, W1b, b1b, g1b, be1b,
           W2a, b2a, g2a, be2a, W2b, b2b, g2b, be2b, Wq, Wk, Wv, Wo, bo,
           g_ln1, b_ln1):
    B, N, _ = pos.shape
    D_PE = W1a.shape[1]
    D_FEAT = feat.shape[2]
    D_EMB = W1b.shape[1]
    NT = N // _T
    f32 = jnp.float32

    pos16 = jnp.zeros((B * N, _DS), f32).at[:, :3].set(pos.reshape(B * N, 3))
    pos16 = pos16.at[:, 3].set(1.0)
    cid = cluster_ids.astype(jnp.int32)
    idx_local = cid.reshape(B * N // 128, 128)
    idx_global = (cid + jnp.arange(B, dtype=jnp.int32)[:, None] * _NC
                  ).reshape(B * N // 128, 128)
    zeros = jnp.zeros((_NC, _DS), f32)

    cogg = _sc_segment(pos16, idx_local, idx_global, zeros).reshape(B, N, _DS)

    cid_row = cid.reshape(B, 1, N)
    cid_col = cid.reshape(B, N, 1)

    qs = jnp.arange(NT) * _T
    c_first = cid[:, qs]
    c_last = cid[:, qs + _T - 1]
    lo = jax.vmap(lambda a, v: jnp.searchsorted(a, v, side='left'))(cid, c_first)
    hi = jax.vmap(lambda a, v: jnp.searchsorted(a, v, side='right'))(cid, c_last)
    jlo = (lo // _TK).astype(jnp.int32)
    jhi = ((hi - 1) // _TK).astype(jnp.int32)

    W1a_pad = jnp.zeros((_DS, D_PE), f32).at[:3].set(W1a[:3])
    w1a_n = W1a[3:4]
    W2a_pad = jnp.zeros((_DS, D_PE), f32).at[:3].set(W2a[3:6])
    row = lambda x: x.reshape(1, -1)

    grid = (B,)
    full = lambda shp: pl.BlockSpec(shp, lambda b: (0,) * len(shp))
    batched = lambda shp: pl.BlockSpec((1,) + shp, lambda b: (b, 0, 0))

    out = pl.pallas_call(
        _tc_body,
        grid=grid,
        in_specs=[
            batched((N, _DS)),
            batched((N, _DS)),
            batched((N, D_FEAT)),
            batched((1, N)),
            batched((N, 1)),
            pl.BlockSpec(memory_space=pltpu.SMEM),
            pl.BlockSpec(memory_space=pltpu.SMEM),
            full((_DS, D_PE)), full((1, D_PE)), full((1, D_PE)),
            full((1, D_PE)), full((1, D_PE)),
            full((D_PE, D_EMB)), full((D_FEAT, D_EMB)), full((1, D_EMB)),
            full((1, D_EMB)), full((1, D_EMB)),
            full((_DS, D_PE)), full((1, D_PE)), full((1, D_PE)), full((1, D_PE)),
            full((D_PE, D_EMB)), full((D_FEAT, D_EMB)), full((1, D_EMB)),
            full((1, D_EMB)), full((1, D_EMB)),
            full((D_EMB, D_EMB)), full((D_EMB, D_EMB)), full((D_EMB, D_EMB)),
            full((D_EMB, D_EMB)), full((1, D_EMB)), full((1, D_EMB)),
            full((1, D_EMB)),
        ],
        out_specs=batched((N, D_EMB)),
        out_shape=jax.ShapeDtypeStruct((B, N, D_EMB), f32),
        scratch_shapes=[
            pltpu.VMEM((N, D_EMB), f32),
            pltpu.VMEM((N, D_EMB), f32),
            pltpu.VMEM((N, D_EMB), f32),
            pltpu.VMEM((N, D_EMB), f32),
            pltpu.VMEM((_T, D_EMB), f32),
            pltpu.VMEM((_T, 1), f32),
            pltpu.VMEM((_T, 1), f32),
        ],
    )(pos16.reshape(B, N, _DS), cogg, feat, cid_row, cid_col, jlo, jhi,
      W1a_pad, w1a_n, row(b1a), row(g1a), row(be1a),
      W1b[:D_PE], W1b[D_PE:], row(b1b), row(g1b), row(be1b),
      W2a_pad, row(b2a), row(g2a), row(be2a),
      W2b[:D_PE], W2b[D_PE:], row(b2b), row(g2b), row(be2b),
      Wq, Wk, Wv, Wo, row(bo), row(g_ln1), row(b_ln1))
    return out

# --- scband reference (transcript-rebuilt; emitter-appended) ---
"""Pipeline reference for scband-dlptlayer-36550171688961 (READ-ONLY COPY).

The authoritative reference and input builder live on the scoring server;
editing this copy changes nothing except your own understanding.
"""

import jax, jax.numpy as jnp
import numpy as np

B = 2; N = 4096; D_POS = 3; D_PE = 64; D_FEAT = 128; D_EMB = 256; NC = 512

def _ln(x, g, b):
    m = jnp.mean(x, axis=-1, keepdims=True)
    v = jnp.var(x, axis=-1, keepdims=True)
    return (x - m) / jnp.sqrt(v + 1e-5) * g + b

def _mlp(x, W, b, g, be):
    return jax.nn.relu(_ln(x @ W + b, g, be))

def _seg_mean(vals, ids, ns):
    s = jax.ops.segment_sum(vals, ids, num_segments=ns)
    c = jax.ops.segment_sum(jnp.ones((ids.shape[0], 1), vals.dtype), ids, num_segments=ns)
    return s / jnp.maximum(c, 1.0)

def setup_inputs(seed: int = 0):
    key = jax.random.key(seed)
    ks = jax.random.split(key, 16)
    def lin(k, fi, fo):
        return jax.random.normal(k, (fi, fo), jnp.float32) / np.sqrt(fi)
    inp = {}
    inp['pos'] = jax.random.normal(ks[0], (B, N, D_POS), jnp.float32)
    inp['feat'] = jax.random.normal(ks[1], (B, N, D_FEAT), jnp.float32)
    inp['cluster_ids'] = jnp.sort(jax.random.randint(ks[2], (B, N), 0, NC), axis=-1)
    inp['W1a'] = lin(ks[3], D_POS + 1, D_PE); inp['b1a'] = jnp.zeros((D_PE,)); inp['g1a'] = jnp.ones((D_PE,)); inp['be1a'] = jnp.zeros((D_PE,))
    inp['W1b'] = lin(ks[4], D_PE + D_FEAT, D_EMB); inp['b1b'] = jnp.zeros((D_EMB,)); inp['g1b'] = jnp.ones((D_EMB,)); inp['be1b'] = jnp.zeros((D_EMB,))
    inp['W2a'] = lin(ks[5], 2 * D_POS, D_PE); inp['b2a'] = jnp.zeros((D_PE,)); inp['g2a'] = jnp.ones((D_PE,)); inp['be2a'] = jnp.zeros((D_PE,))
    inp['W2b'] = lin(ks[6], D_PE + D_FEAT, D_EMB); inp['b2b'] = jnp.zeros((D_EMB,)); inp['g2b'] = jnp.ones((D_EMB,)); inp['be2b'] = jnp.zeros((D_EMB,))
    inp['Wq'] = lin(ks[7], D_EMB, D_EMB); inp['Wk'] = lin(ks[8], D_EMB, D_EMB); inp['Wv'] = lin(ks[9], D_EMB, D_EMB)
    inp['Wo'] = lin(ks[10], D_EMB, D_EMB); inp['bo'] = jnp.zeros((D_EMB,))
    inp['g_ln1'] = jnp.ones((D_EMB,)); inp['b_ln1'] = jnp.zeros((D_EMB,))
    return inp

def reference(pos, feat, cluster_ids, W1a, b1a, g1a, be1a, W1b, b1b, g1b, be1b, W2a, b2a, g2a, be2a, W2b, b2b, g2b, be2b, Wq, Wk, Wv, Wo, bo, g_ln1, b_ln1):
    def lpe(p, f, cid):
        cog = _seg_mean(p, cid, NC)[cid]
        local_p = p - cog
        n = jnp.linalg.norm(local_p, axis=1, keepdims=True)
        r = _mlp(jnp.concatenate([local_p, n], axis=1), W1a, b1a, g1a, be1a)
        h_pos = _mlp(jnp.concatenate([r, f], axis=1), W1b, b1b, g1b, be1b)
        avg = _seg_mean(local_p, cid, NC)[cid]
        r_hat = _mlp(jnp.concatenate([avg, local_p], axis=1), W2a, b2a, g2a, be2a)
        h_geo = _mlp(jnp.concatenate([r_hat, f], axis=1), W2b, b2b, g2b, be2b)
        return h_pos, h_geo
    h_pos, h_geo = jax.vmap(lpe)(pos, feat, cluster_ids)
    Q = h_geo @ Wq
    K = h_geo @ Wk
    V = h_pos @ Wv
    mask = cluster_ids[:, :, None] == cluster_ids[:, None, :]
    scores = jnp.einsum('bnd,bmd->bnm', Q / np.sqrt(D_EMB), K)
    scores = jnp.where(mask, scores, -1e9)
    A = jax.nn.softmax(scores, axis=-1)
    attn_out = jnp.einsum('bnm,bmd->bnd', A, V) @ Wo + bo
    feat_out = _ln(h_pos + attn_out, g_ln1, b_ln1)
    return feat_out

if __name__ == "__main__":
    import jax
    _d = setup_inputs()
    print(jax.jit(kernel)(*tuple(_d.values())))

</pallas_src>

<mosaic_0001>
#map = affine_map<(d0, d1) -> (0, 0)>
module attributes {stable_mosaic.version = 14 : i64} {
  func.func @_sc_body(%arg0: i32, %arg1: i32, %arg2: memref<8192x128xf32, #tpu.memory_space<hbm>>, %arg3: memref<64x128xi32, #tpu.memory_space<hbm>>, %arg4: memref<64x128xi32, #tpu.memory_space<hbm>>, %arg5: memref<512x128xf32, #tpu.memory_space<hbm>>, %arg6: memref<1024x128xf32, #tpu.memory_space<hbm>>, %arg7: memref<8192x128xf32, #tpu.memory_space<hbm>>, %arg8: memref<256x128xf32, #tpu.memory_space<vmem>>, %arg9: memref<2x128xi32, #tpu.memory_space<vmem>>, %arg10: memref<2x128xi32, #tpu.memory_space<vmem>>, %arg11: memref<128x128xf32, #tpu.memory_space<vmem>>, %arg12: memref<32x128xf32, #tpu.memory_space<vmem>>, %arg13: memref<!tpu.dma_semaphore, #tpu.memory_space<semaphore_mem>>, %arg14: memref<512x128xf32, #tpu.memory_space<vmem_shared>>) attributes {dimension_semantics = [#tpu.dimension_semantics<core_parallel>, #tpu.dimension_semantics<subcore_parallel>], iteration_bounds = array<i64: 2, 16>, scalar_prefetch = 0 : i64, scratch_operands = 7 : i64, tpu.core_type = #tpu.core_type<sc_vector_subcore>, window_params = [{transform_indices = #map}, {transform_indices = #map}, {transform_indices = #map}, {transform_indices = #map}, {transform_indices = #map}, {transform_indices = #map}]} {
    %eq3A = arith.constant 0 : i32
    %eq3A_0 = arith.cmpi eq, %arg1, %eq3A : i32
    %convert_element_type3A = arith.extui %eq3A_0 : i1 to i32
    %cond3A = arith.constant 0 : i32
    %cond3A_1 = arith.cmpi ne, %convert_element_type3A, %cond3A : i32
    scf.if %cond3A_1 {
      "tpu.region"() ({
        %run_scoped3A_51 = tpu.sem_alloc : memref<!tpu.dma_semaphore, #tpu.memory_space<semaphore_mem>>
        tpu.enqueue_dma source(%arg5 : memref<512x128xf32, #tpu.memory_space<hbm>>) target(%arg14 : memref<512x128xf32, #tpu.memory_space<vmem_shared>>) target_semaphore(%run_scoped3A_51 : memref<!tpu.dma_semaphore, #tpu.memory_space<semaphore_mem>>)
        tpu.wait_dma2 semaphore(%run_scoped3A_51 : memref<!tpu.dma_semaphore, #tpu.memory_space<semaphore_mem>>) src(%arg5 : memref<512x128xf32, #tpu.memory_space<hbm>>) dst(%arg14 : memref<512x128xf32, #tpu.memory_space<vmem_shared>>)
        tpu.yield
      }) : () -> ()
    } else {
    }
    %barrier3A = arith.constant 0 : index
    tpu.barrier barrier_id(%barrier3A)
    %mul3A = arith.constant 32 : i32
    %mul3A_2 = arith.muli %arg0, %mul3A : i32
    %mul3A_3 = arith.constant 2 : i32
    %mul3A_4 = arith.muli %arg1, %mul3A_3 : i32
    %add3A = arith.addi %mul3A_2, %mul3A_4 : i32
    %mul3A_5 = arith.constant 128 : i32
    %mul3A_6 = arith.muli %add3A, %mul3A_5 : i32
    "tpu.region"() ({
      %run_scoped3A_51 = tpu.sem_alloc : memref<!tpu.dma_semaphore, #tpu.memory_space<semaphore_mem>>
      %dma_start3A_52 = arith.constant 0 : i32
      %dma_start3A_53 = tpu.memref_slice %arg2[%mul3A_6, %dma_start3A_52] : memref<8192x128xf32, #tpu.memory_space<hbm>> -> memref<256x128xf32, #tpu.memory_space<hbm>>
      %dma_start3A_54 = arith.constant 0 : i32
      %dma_start3A_55 = tpu.memref_slice %arg2[%mul3A_6, %dma_start3A_54] : memref<8192x128xf32, #tpu.memory_space<hbm>> -> memref<256x128xf32, #tpu.memory_space<hbm>>
      tpu.enqueue_dma source(%dma_start3A_55 : memref<256x128xf32, #tpu.memory_space<hbm>>) target(%arg8 : memref<256x128xf32, #tpu.memory_space<vmem>>) target_semaphore(%run_scoped3A_51 : memref<!tpu.dma_semaphore, #tpu.memory_space<semaphore_mem>>)
      %dma_wait3A_56 = arith.constant 0 : i32
      %dma_wait3A_57 = tpu.memref_slice %arg2[%mul3A_6, %dma_wait3A_56] : memref<8192x128xf32, #tpu.memory_space<hbm>> -> memref<256x128xf32, #tpu.memory_space<hbm>>
      %dma_wait3A_58 = arith.constant 0 : i32
      %dma_wait3A_59 = tpu.memref_slice %arg2[%mul3A_6, %dma_wait3A_58] : memref<8192x128xf32, #tpu.memory_space<hbm>> -> memref<256x128xf32, #tpu.memory_space<hbm>>
      tpu.wait_dma2 semaphore(%run_scoped3A_51 : memref<!tpu.dma_semaphore, #tpu.memory_space<semaphore_mem>>) src(%dma_wait3A_59 : memref<256x128xf32, #tpu.memory_space<hbm>>) dst(%arg8 : memref<256x128xf32, #tpu.memory_space<vmem>>)
      tpu.yield
    }) : () -> ()
    "tpu.region"() ({
      %run_scoped3A_51 = tpu.sem_alloc : memref<!tpu.dma_semaphore, #tpu.memory_space<semaphore_mem>>
      %dma_start3A_52 = arith.constant 0 : i32
      %dma_start3A_53 = tpu.memref_slice %arg3[%add3A, %dma_start3A_52] : memref<64x128xi32, #tpu.memory_space<hbm>> -> memref<2x128xi32, #tpu.memory_space<hbm>>
      %dma_start3A_54 = arith.constant 0 : i32
      %dma_start3A_55 = tpu.memref_slice %arg3[%add3A, %dma_start3A_54] : memref<64x128xi32, #tpu.memory_space<hbm>> -> memref<2x128xi32, #tpu.memory_space<hbm>>
      tpu.enqueue_dma source(%dma_start3A_55 : memref<2x128xi32, #tpu.memory_space<hbm>>) target(%arg9 : memref<2x128xi32, #tpu.memory_space<vmem>>) target_semaphore(%run_scoped3A_51 : memref<!tpu.dma_semaphore, #tpu.memory_space<semaphore_mem>>)
      %dma_wait3A_56 = arith.constant 0 : i32
      %dma_wait3A_57 = tpu.memref_slice %arg3[%add3A, %dma_wait3A_56] : memref<64x128xi32, #tpu.memory_space<hbm>> -> memref<2x128xi32, #tpu.memory_space<hbm>>
      %dma_wait3A_58 = arith.constant 0 : i32
      %dma_wait3A_59 = tpu.memref_slice %arg3[%add3A, %dma_wait3A_58] : memref<64x128xi32, #tpu.memory_space<hbm>> -> memref<2x128xi32, #tpu.memory_space<hbm>>
      tpu.wait_dma2 semaphore(%run_scoped3A_51 : memref<!tpu.dma_semaphore, #tpu.memory_space<semaphore_mem>>) src(%dma_wait3A_59 : memref<2x128xi32, #tpu.memory_space<hbm>>) dst(%arg9 : memref<2x128xi32, #tpu.memory_space<vmem>>)
      tpu.yield
    }) : () -> ()
    "tpu.region"() ({
      %run_scoped3A_51 = tpu.sem_alloc : memref<!tpu.dma_semaphore, #tpu.memory_space<semaphore_mem>>
      %dma_start3A_52 = arith.constant 0 : i32
      %dma_start3A_53 = tpu.memref_slice %arg4[%add3A, %dma_start3A_52] : memref<64x128xi32, #tpu.memory_space<hbm>> -> memref<2x128xi32, #tpu.memory_space<hbm>>
      %dma_start3A_54 = arith.constant 0 : i32
      %dma_start3A_55 = tpu.memref_slice %arg4[%add3A, %dma_start3A_54] : memref<64x128xi32, #tpu.memory_space<hbm>> -> memref<2x128xi32, #tpu.memory_space<hbm>>
      tpu.enqueue_dma source(%dma_start3A_55 : memref<2x128xi32, #tpu.memory_space<hbm>>) target(%arg10 : memref<2x128xi32, #tpu.memory_space<vmem>>) target_semaphore(%run_scoped3A_51 : memref<!tpu.dma_semaphore, #tpu.memory_space<semaphore_mem>>)
      %dma_wait3A_56 = arith.constant 0 : i32
      %dma_wait3A_57 = tpu.memref_slice %arg4[%add3A, %dma_wait3A_56] : memref<64x128xi32, #tpu.memory_space<hbm>> -> memref<2x128xi32, #tpu.memory_space<hbm>>
      %dma_wait3A_58 = arith.constant 0 : i32
      %dma_wait3A_59 = tpu.memref_slice %arg4[%add3A, %dma_wait3A_58] : memref<64x128xi32, #tpu.memory_space<hbm>> -> memref<2x128xi32, #tpu.memory_space<hbm>>
      tpu.wait_dma2 semaphore(%run_scoped3A_51 : memref<!tpu.dma_semaphore, #tpu.memory_space<semaphore_mem>>) src(%dma_wait3A_59 : memref<2x128xi32, #tpu.memory_space<hbm>>) dst(%arg10 : memref<2x128xi32, #tpu.memory_space<vmem>>)
      tpu.yield
    }) : () -> ()
    %run_scoped3A = arith.constant 0 : i32
    "tpu.region"() ({
      %run_scoped3A_51 = tpu.sem_alloc : memref<!tpu.dma_semaphore, #tpu.memory_space<semaphore_mem>>
      %dma_start3A_52 = arith.constant 0 : i32
      %dma_start3A_53 = arith.constant 0 : i32
      %dma_start3A_54 = tpu.memref_slice %arg8[%dma_start3A_52, %dma_start3A_53] : memref<256x128xf32, #tpu.memory_space<vmem>> -> memref<128x128xf32, #tpu.memory_space<vmem>>
      %dma_start3A_55 = arith.constant 0 : i32
      %dma_start3A_56 = tpu.memref_slice %arg9[%run_scoped3A, %dma_start3A_55] : memref<2x128xi32, #tpu.memory_space<vmem>> -> memref<1x128xi32, #tpu.memory_space<vmem>>
      %dma_start3A_57 = tpu.memref_squeeze %dma_start3A_56 : memref<1x128xi32, #tpu.memory_space<vmem>> -> memref<128xi32, #tpu.memory_space<vmem>>
      %dma_start3A_58 = arith.constant 0 : i32
      %dma_start3A_59 = arith.constant 0 : i32
      %dma_start3A_60 = tpu.memref_slice %arg14[%dma_start3A_58, %dma_start3A_59] : memref<512x128xf32, #tpu.memory_space<vmem_shared>> -> memref<512x128xf32, #tpu.memory_space<vmem_shared>>
      tpu.enqueue_indirect_dma source(%dma_start3A_54 : memref<128x128xf32, #tpu.memory_space<vmem>>) target(%dma_start3A_60 : memref<512x128xf32, #tpu.memory_space<vmem_shared>>) offsets(%dma_start3A_57 : memref<128xi32, #tpu.memory_space<vmem>>) semaphore(%run_scoped3A_51 : memref<!tpu.dma_semaphore, #tpu.memory_space<semaphore_mem>>) {add = true}
      %dma_wait3A_61 = arith.constant 0 : i32
      %dma_wait3A_62 = arith.constant 0 : i32
      %dma_wait3A_63 = tpu.memref_slice %arg8[%dma_wait3A_61, %dma_wait3A_62] : memref<256x128xf32, #tpu.memory_space<vmem>> -> memref<128x128xf32, #tpu.memory_space<vmem>>
      %dma_wait3A_64 = arith.constant 0 : i32
      %dma_wait3A_65 = tpu.memref_slice %arg9[%run_scoped3A, %dma_wait3A_64] : memref<2x128xi32, #tpu.memory_space<vmem>> -> memref<1x128xi32, #tpu.memory_space<vmem>>
      %dma_wait3A_66 = tpu.memref_squeeze %dma_wait3A_65 : memref<1x128xi32, #tpu.memory_space<vmem>> -> memref<128xi32, #tpu.memory_space<vmem>>
      %dma_wait3A_67 = arith.constant 0 : i32
      %dma_wait3A_68 = arith.constant 0 : i32
      %dma_wait3A_69 = tpu.memref_slice %arg14[%dma_wait3A_67, %dma_wait3A_68] : memref<512x128xf32, #tpu.memory_space<vmem_shared>> -> memref<512x128xf32, #tpu.memory_space<vmem_shared>>
      tpu.wait_indirect_dma semaphore(%run_scoped3A_51 : memref<!tpu.dma_semaphore, #tpu.memory_space<semaphore_mem>>) src(%dma_wait3A_63 : memref<128x128xf32, #tpu.memory_space<vmem>>) dst(%dma_wait3A_69 : memref<512x128xf32, #tpu.memory_space<vmem_shared>>)
      tpu.yield
    }) : () -> ()
    %run_scoped3A_7 = arith.constant 1 : i32
    "tpu.region"() ({
      %run_scoped3A_51 = tpu.sem_alloc : memref<!tpu.dma_semaphore, #tpu.memory_space<semaphore_mem>>
      %dma_start3A_52 = arith.constant 128 : i32
      %dma_start3A_53 = arith.constant 0 : i32
      %dma_start3A_54 = tpu.memref_slice %arg8[%dma_start3A_52, %dma_start3A_53] : memref<256x128xf32, #tpu.memory_space<vmem>> -> memref<128x128xf32, #tpu.memory_space<vmem>>
      %dma_start3A_55 = arith.constant 0 : i32
      %dma_start3A_56 = tpu.memref_slice %arg9[%run_scoped3A_7, %dma_start3A_55] : memref<2x128xi32, #tpu.memory_space<vmem>> -> memref<1x128xi32, #tpu.memory_space<vmem>>
      %dma_start3A_57 = tpu.memref_squeeze %dma_start3A_56 : memref<1x128xi32, #tpu.memory_space<vmem>> -> memref<128xi32, #tpu.memory_space<vmem>>
      %dma_start3A_58 = arith.constant 0 : i32
      %dma_start3A_59 = arith.constant 0 : i32
      %dma_start3A_60 = tpu.memref_slice %arg14[%dma_start3A_58, %dma_start3A_59] : memref<512x128xf32, #tpu.memory_space<vmem_shared>> -> memref<512x128xf32, #tpu.memory_space<vmem_shared>>
      tpu.enqueue_indirect_dma source(%dma_start3A_54 : memref<128x128xf32, #tpu.memory_space<vmem>>) target(%dma_start3A_60 : memref<512x128xf32, #tpu.memory_space<vmem_shared>>) offsets(%dma_start3A_57 : memref<128xi32, #tpu.memory_space<vmem>>) semaphore(%run_scoped3A_51 : memref<!tpu.dma_semaphore, #tpu.memory_space<semaphore_mem>>) {add = true}
      %dma_wait3A_61 = arith.constant 128 : i32
      %dma_wait3A_62 = arith.constant 0 : i32
      %dma_wait3A_63 = tpu.memref_slice %arg8[%dma_wait3A_61, %dma_wait3A_62] : memref<256x128xf32, #tpu.memory_space<vmem>> -> memref<128x128xf32, #tpu.memory_space<vmem>>
      %dma_wait3A_64 = arith.constant 0 : i32
      %dma_wait3A_65 = tpu.memref_slice %arg9[%run_scoped3A_7, %dma_wait3A_64] : memref<2x128xi32, #tpu.memory_space<vmem>> -> memref<1x128xi32, #tpu.memory_space<vmem>>
      %dma_wait3A_66 = tpu.memref_squeeze %dma_wait3A_65 : memref<1x128xi32, #tpu.memory_space<vmem>> -> memref<128xi32, #tpu.memory_space<vmem>>
      %dma_wait3A_67 = arith.constant 0 : i32
      %dma_wait3A_68 = arith.constant 0 : i32
      %dma_wait3A_69 = tpu.memref_slice %arg14[%dma_wait3A_67, %dma_wait3A_68] : memref<512x128xf32, #tpu.memory_space<vmem_shared>> -> memref<512x128xf32, #tpu.memory_space<vmem_shared>>
      tpu.wait_indirect_dma semaphore(%run_scoped3A_51 : memref<!tpu.dma_semaphore, #tpu.memory_space<semaphore_mem>>) src(%dma_wait3A_63 : memref<128x128xf32, #tpu.memory_space<vmem>>) dst(%dma_wait3A_69 : memref<512x128xf32, #tpu.memory_space<vmem_shared>>)
      tpu.yield
    }) : () -> ()
    %barrier3A_8 = arith.constant 0 : index
    tpu.barrier barrier_id(%barrier3A_8)
    %mul3A_9 = arith.constant 32 : i32
    %mul3A_10 = arith.muli %arg1, %mul3A_9 : i32
    "tpu.region"() ({
      %run_scoped3A_51 = tpu.sem_alloc : memref<!tpu.dma_semaphore, #tpu.memory_space<semaphore_mem>>
      %dma_start3A_52 = arith.constant 0 : i32
      %dma_start3A_53 = tpu.memref_slice %arg14[%mul3A_10, %dma_start3A_52] : memref<512x128xf32, #tpu.memory_space<vmem_shared>> -> memref<32x128xf32, #tpu.memory_space<vmem_shared>>
      %dma_start3A_54 = arith.constant 0 : i32
      %dma_start3A_55 = tpu.memref_slice %arg14[%mul3A_10, %dma_start3A_54] : memref<512x128xf32, #tpu.memory_space<vmem_shared>> -> memref<32x128xf32, #tpu.memory_space<vmem_shared>>
      tpu.enqueue_dma source(%dma_start3A_55 : memref<32x128xf32, #tpu.memory_space<vmem_shared>>) target(%arg12 : memref<32x128xf32, #tpu.memory_space<vmem>>) target_semaphore(%run_scoped3A_51 : memref<!tpu.dma_semaphore, #tpu.memory_space<semaphore_mem>>)
      %dma_wait3A_56 = arith.constant 0 : i32
      %dma_wait3A_57 = tpu.memref_slice %arg14[%mul3A_10, %dma_wait3A_56] : memref<512x128xf32, #tpu.memory_space<vmem_shared>> -> memref<32x128xf32, #tpu.memory_space<vmem_shared>>
      %dma_wait3A_58 = arith.constant 0 : i32
      %dma_wait3A_59 = tpu.memref_slice %arg14[%mul3A_10, %dma_wait3A_58] : memref<512x128xf32, #tpu.memory_space<vmem_shared>> -> memref<32x128xf32, #tpu.memory_space<vmem_shared>>
      tpu.wait_dma2 semaphore(%run_scoped3A_51 : memref<!tpu.dma_semaphore, #tpu.memory_space<semaphore_mem>>) src(%dma_wait3A_59 : memref<32x128xf32, #tpu.memory_space<vmem_shared>>) dst(%arg12 : memref<32x128xf32, #tpu.memory_space<vmem>>)
      tpu.yield
    }) : () -> ()
    %mul3A_11 = arith.constant 512 : i32
    %mul3A_12 = arith.muli %arg0, %mul3A_11 : i32
    %mul3A_13 = arith.constant 32 : i32
    %mul3A_14 = arith.muli %arg1, %mul3A_13 : i32
    %add3A_15 = arith.addi %mul3A_12, %mul3A_14 : i32
    "tpu.region"() ({
      %run_scoped3A_51 = tpu.sem_alloc : memref<!tpu.dma_semaphore, #tpu.memory_space<semaphore_mem>>
      %dma_start3A_52 = arith.constant 0 : i32
      %dma_start3A_53 = tpu.memref_slice %arg6[%add3A_15, %dma_start3A_52] : memref<1024x128xf32, #tpu.memory_space<hbm>> -> memref<32x128xf32, #tpu.memory_space<hbm>>
      %dma_start3A_54 = arith.constant 0 : i32
      %dma_start3A_55 = tpu.memref_slice %arg6[%add3A_15, %dma_start3A_54] : memref<1024x128xf32, #tpu.memory_space<hbm>> -> memref<32x128xf32, #tpu.memory_space<hbm>>
      tpu.enqueue_dma source(%arg12 : memref<32x128xf32, #tpu.memory_space<vmem>>) target(%dma_start3A_55 : memref<32x128xf32, #tpu.memory_space<hbm>>) target_semaphore(%run_scoped3A_51 : memref<!tpu.dma_semaphore, #tpu.memory_space<semaphore_mem>>)
      %dma_wait3A_56 = arith.constant 0 : i32
      %dma_wait3A_57 = tpu.memref_slice %arg6[%add3A_15, %dma_wait3A_56] : memref<1024x128xf32, #tpu.memory_space<hbm>> -> memref<32x128xf32, #tpu.memory_space<hbm>>
      %dma_wait3A_58 = arith.constant 0 : i32
      %dma_wait3A_59 = tpu.memref_slice %arg6[%add3A_15, %dma_wait3A_58] : memref<1024x128xf32, #tpu.memory_space<hbm>> -> memref<32x128xf32, #tpu.memory_space<hbm>>
      tpu.wait_dma2 semaphore(%run_scoped3A_51 : memref<!tpu.dma_semaphore, #tpu.memory_space<semaphore_mem>>) src(%arg12 : memref<32x128xf32, #tpu.memory_space<vmem>>) dst(%dma_wait3A_59 : memref<32x128xf32, #tpu.memory_space<hbm>>)
      tpu.yield
    }) : () -> ()
    %barrier3A_16 = arith.constant 0 : index
    tpu.barrier barrier_id(%barrier3A_16)
    %dma_start3A = arith.constant 0 : i32
    %dma_start3A_17 = arith.constant 0 : i32
    %dma_start3A_18 = tpu.memref_slice %arg10[%dma_start3A, %dma_start3A_17] : memref<2x128xi32, #tpu.memory_space<vmem>> -> memref<1x128xi32, #tpu.memory_space<vmem>>
    %dma_start3A_19 = tpu.memref_squeeze %dma_start3A_18 : memref<1x128xi32, #tpu.memory_space<vmem>> -> memref<128xi32, #tpu.memory_space<vmem>>
    %dma_start3A_20 = arith.constant 0 : i32
    %dma_start3A_21 = arith.constant 0 : i32
    %dma_start3A_22 = tpu.memref_slice %arg6[%dma_start3A_20, %dma_start3A_21] : memref<1024x128xf32, #tpu.memory_space<hbm>> -> memref<1024x128xf32, #tpu.memory_space<hbm>>
    tpu.enqueue_indirect_dma source(%dma_start3A_22 : memref<1024x128xf32, #tpu.memory_space<hbm>>) target(%arg11 : memref<128x128xf32, #tpu.memory_space<vmem>>) offsets(%dma_start3A_19 : memref<128xi32, #tpu.memory_space<vmem>>) semaphore(%arg13 : memref<!tpu.dma_semaphore, #tpu.memory_space<semaphore_mem>>)
    %dma_wait3A = arith.constant 0 : i32
    %dma_wait3A_23 = arith.constant 0 : i32
    %dma_wait3A_24 = tpu.memref_slice %arg10[%dma_wait3A, %dma_wait3A_23] : memref<2x128xi32, #tpu.memory_space<vmem>> -> memref<1x128xi32, #tpu.memory_space<vmem>>
    %dma_wait3A_25 = tpu.memref_squeeze %dma_wait3A_24 : memref<1x128xi32, #tpu.memory_space<vmem>> -> memref<128xi32, #tpu.memory_space<vmem>>
    %dma_wait3A_26 = arith.constant 0 : i32
    %dma_wait3A_27 = arith.constant 0 : i32
    %dma_wait3A_28 = tpu.memref_slice %arg6[%dma_wait3A_26, %dma_wait3A_27] : memref<1024x128xf32, #tpu.memory_space<hbm>> -> memref<1024x128xf32, #tpu.memory_space<hbm>>
    tpu.wait_indirect_dma semaphore(%arg13 : memref<!tpu.dma_semaphore, #tpu.memory_space<semaphore_mem>>) src(%dma_wait3A_28 : memref<1024x128xf32, #tpu.memory_space<hbm>>) dst(%arg11 : memref<128x128xf32, #tpu.memory_space<vmem>>)
    %add3A_29 = arith.constant 0 : i32
    %add3A_30 = arith.addi %add3A, %add3A_29 : i32
    %mul3A_31 = arith.constant 128 : i32
    %mul3A_32 = arith.muli %add3A_30, %mul3A_31 : i32
    "tpu.region"() ({
      %run_scoped3A_51 = tpu.sem_alloc : memref<!tpu.dma_semaphore, #tpu.memory_space<semaphore_mem>>
      %dma_start3A_52 = arith.constant 0 : i32
      %dma_start3A_53 = tpu.memref_slice %arg7[%mul3A_32, %dma_start3A_52] : memref<8192x128xf32, #tpu.memory_space<hbm>> -> memref<128x128xf32, #tpu.memory_space<hbm>>
      %dma_start3A_54 = arith.constant 0 : i32
      %dma_start3A_55 = tpu.memref_slice %arg7[%mul3A_32, %dma_start3A_54] : memref<8192x128xf32, #tpu.memory_space<hbm>> -> memref<128x128xf32, #tpu.memory_space<hbm>>
      tpu.enqueue_dma source(%arg11 : memref<128x128xf32, #tpu.memory_space<vmem>>) target(%dma_start3A_55 : memref<128x128xf32, #tpu.memory_space<hbm>>) target_semaphore(%run_scoped3A_51 : memref<!tpu.dma_semaphore, #tpu.memory_space<semaphore_mem>>)
      %dma_wait3A_56 = arith.constant 0 : i32
      %dma_wait3A_57 = tpu.memref_slice %arg7[%mul3A_32, %dma_wait3A_56] : memref<8192x128xf32, #tpu.memory_space<hbm>> -> memref<128x128xf32, #tpu.memory_space<hbm>>
      %dma_wait3A_58 = arith.constant 0 : i32
      %dma_wait3A_59 = tpu.memref_slice %arg7[%mul3A_32, %dma_wait3A_58] : memref<8192x128xf32, #tpu.memory_space<hbm>> -> memref<128x128xf32, #tpu.memory_space<hbm>>
      tpu.wait_dma2 semaphore(%run_scoped3A_51 : memref<!tpu.dma_semaphore, #tpu.memory_space<semaphore_mem>>) src(%arg11 : memref<128x128xf32, #tpu.memory_space<vmem>>) dst(%dma_wait3A_59 : memref<128x128xf32, #tpu.memory_space<hbm>>)
      tpu.yield
    }) : () -> ()
    %dma_start3A_33 = arith.constant 1 : i32
    %dma_start3A_34 = arith.constant 0 : i32
    %dma_start3A_35 = tpu.memref_slice %arg10[%dma_start3A_33, %dma_start3A_34] : memref<2x128xi32, #tpu.memory_space<vmem>> -> memref<1x128xi32, #tpu.memory_space<vmem>>
    %dma_start3A_36 = tpu.memref_squeeze %dma_start3A_35 : memref<1x128xi32, #tpu.memory_space<vmem>> -> memref<128xi32, #tpu.memory_space<vmem>>
    %dma_start3A_37 = arith.constant 0 : i32
    %dma_start3A_38 = arith.constant 0 : i32
    %dma_start3A_39 = tpu.memref_slice %arg6[%dma_start3A_37, %dma_start3A_38] : memref<1024x128xf32, #tpu.memory_space<hbm>> -> memref<1024x128xf32, #tpu.memory_space<hbm>>
    tpu.enqueue_indirect_dma source(%dma_start3A_39 : memref<1024x128xf32, #tpu.memory_space<hbm>>) target(%arg11 : memref<128x128xf32, #tpu.memory_space<vmem>>) offsets(%dma_start3A_36 : memref<128xi32, #tpu.memory_space<vmem>>) semaphore(%arg13 : memref<!tpu.dma_semaphore, #tpu.memory_space<semaphore_mem>>)
    %dma_wait3A_40 = arith.constant 1 : i32
    %dma_wait3A_41 = arith.constant 0 : i32
    %dma_wait3A_42 = tpu.memref_slice %arg10[%dma_wait3A_40, %dma_wait3A_41] : memref<2x128xi32, #tpu.memory_space<vmem>> -> memref<1x128xi32, #tpu.memory_space<vmem>>
    %dma_wait3A_43 = tpu.memref_squeeze %dma_wait3A_42 : memref<1x128xi32, #tpu.memory_space<vmem>> -> memref<128xi32, #tpu.memory_space<vmem>>
    %dma_wait3A_44 = arith.constant 0 : i32
    %dma_wait3A_45 = arith.constant 0 : i32
    %dma_wait3A_46 = tpu.memref_slice %arg6[%dma_wait3A_44, %dma_wait3A_45] : memref<1024x128xf32, #tpu.memory_space<hbm>> -> memref<1024x128xf32, #tpu.memory_space<hbm>>
    tpu.wait_indirect_dma semaphore(%arg13 : memref<!tpu.dma_semaphore, #tpu.memory_space<semaphore_mem>>) src(%dma_wait3A_46 : memref<1024x128xf32, #tpu.memory_space<hbm>>) dst(%arg11 : memref<128x128xf32, #tpu.memory_space<vmem>>)
    %add3A_47 = arith.constant 1 : i32
    %add3A_48 = arith.addi %add3A, %add3A_47 : i32
    %mul3A_49 = arith.constant 128 : i32
    %mul3A_50 = arith.muli %add3A_48, %mul3A_49 : i32
    "tpu.region"() ({
      %run_scoped3A_51 = tpu.sem_alloc : memref<!tpu.dma_semaphore, #tpu.memory_space<semaphore_mem>>
      %dma_start3A_52 = arith.constant 0 : i32
      %dma_start3A_53 = tpu.memref_slice %arg7[%mul3A_50, %dma_start3A_52] : memref<8192x128xf32, #tpu.memory_space<hbm>> -> memref<128x128xf32, #tpu.memory_space<hbm>>
      %dma_start3A_54 = arith.constant 0 : i32
      %dma_start3A_55 = tpu.memref_slice %arg7[%mul3A_50, %dma_start3A_54] : memref<8192x128xf32, #tpu.memory_space<hbm>> -> memref<128x128xf32, #tpu.memory_space<hbm>>
      tpu.enqueue_dma source(%arg11 : memref<128x128xf32, #tpu.memory_space<vmem>>) target(%dma_start3A_55 : memref<128x128xf32, #tpu.memory_space<hbm>>) target_semaphore(%run_scoped3A_51 : memref<!tpu.dma_semaphore, #tpu.memory_space<semaphore_mem>>)
      %dma_wait3A_56 = arith.constant 0 : i32
      %dma_wait3A_57 = tpu.memref_slice %arg7[%mul3A_50, %dma_wait3A_56] : memref<8192x128xf32, #tpu.memory_space<hbm>> -> memref<128x128xf32, #tpu.memory_space<hbm>>
      %dma_wait3A_58 = arith.constant 0 : i32
      %dma_wait3A_59 = tpu.memref_slice %arg7[%mul3A_50, %dma_wait3A_58] : memref<8192x128xf32, #tpu.memory_space<hbm>> -> memref<128x128xf32, #tpu.memory_space<hbm>>
      tpu.wait_dma2 semaphore(%run_scoped3A_51 : memref<!tpu.dma_semaphore, #tpu.memory_space<semaphore_mem>>) src(%arg11 : memref<128x128xf32, #tpu.memory_space<vmem>>) dst(%dma_wait3A_59 : memref<128x128xf32, #tpu.memory_space<hbm>>)
      tpu.yield
    }) : () -> ()
    return
  }
}

module attributes {stable_mosaic.version = 14 : i64} {
  func.func @_tc_body(%arg0: i32, %arg1: memref<1x4096x128xf32, #tpu.memory_space<vmem>>, %arg2: memref<1x4096x128xf32, #tpu.memory_space<vmem>>, %arg3: memref<1x4096x128xf32, #tpu.memory_space<vmem>>, %arg4: memref<1x1x4096xi32, #tpu.memory_space<vmem>>, %arg5: memref<1x4096x1xi32, #tpu.memory_space<vmem>>, %arg6: memref<2x16xi32, #tpu.memory_space<smem>>, %arg7: memref<2x16xi32, #tpu.memory_space<smem>>, %arg8: memref<128x64xf32, #tpu.memory_space<vmem>>, %arg9: memref<1x64xf32, #tpu.memory_space<vmem>>, %arg10: memref<1x64xf32, #tpu.memory_space<vmem>>, %arg11: memref<1x64xf32, #tpu.memory_space<vmem>>, %arg12: memref<1x64xf32, #tpu.memory_space<vmem>>, %arg13: memref<64x256xf32, #tpu.memory_space<vmem>>, %arg14: memref<128x256xf32, #tpu.memory_space<vmem>>, %arg15: memref<1x256xf32, #tpu.memory_space<vmem>>, %arg16: memref<1x256xf32, #tpu.memory_space<vmem>>, %arg17: memref<1x256xf32, #tpu.memory_space<vmem>>, %arg18: memref<128x64xf32, #tpu.memory_space<vmem>>, %arg19: memref<1x64xf32, #tpu.memory_space<vmem>>, %arg20: memref<1x64xf32, #tpu.memory_space<vmem>>, %arg21: memref<1x64xf32, #tpu.memory_space<vmem>>, %arg22: memref<64x256xf32, #tpu.memory_space<vmem>>, %arg23: memref<128x256xf32, #tpu.memory_space<vmem>>, %arg24: memref<1x256xf32, #tpu.memory_space<vmem>>, %arg25: memref<1x256xf32, #tpu.memory_space<vmem>>, %arg26: memref<1x256xf32, #tpu.memory_space<vmem>>, %arg27: memref<256x256xf32, #tpu.memory_space<vmem>>, %arg28: memref<256x256xf32, #tpu.memory_space<vmem>>, %arg29: memref<256x256xf32, #tpu.memory_space<vmem>>, %arg30: memref<256x256xf32, #tpu.memory_space<vmem>>, %arg31: memref<1x256xf32, #tpu.memory_space<vmem>>, %arg32: memref<1x256xf32, #tpu.memory_space<vmem>>, %arg33: memref<1x256xf32, #tpu.memory_space<vmem>>, %arg34: memref<1x4096x256xf32, #tpu.memory_space<vmem>>, %arg35: memref<4096x256xf32, #tpu.memory_space<vmem>>, %arg36: memref<4096x256xf32, #tpu.memory_space<vmem>>, %arg37: memref<4096x256xf32, #tpu.memory_space<vmem>>, %arg38: memref<4096x256xf32, #tpu.memory_space<vmem>>, %arg39: memref<256x256xf32, #tpu.memory_space<vmem>>, %arg40: memref<256x1xf32, #tpu.memory_space<vmem>>, %arg41: memref<256x1xf32, #tpu.memory_space<vmem>>) attributes {dimension_semantics = [#tpu.dimension_semantics<arbitrary>], iteration_bounds = array<i64: 2>, scalar_prefetch = 0 : i64, scratch_operands = 7 : i64, tpu.core_type = #tpu.core_type<tc>, window_params = [{transform_indices = @transform_0, window_bounds = array<i64: 1, 4096, 128>}, {transform_indices = @transform_1, window_bounds = array<i64: 1, 4096, 128>}, {transform_indices = @transform_2, window_bounds = array<i64: 1, 4096, 128>}, {transform_indices = @transform_3, window_bounds = array<i64: 1, 1, 4096>}, {transform_indices = @transform_4, window_bounds = array<i64: 1, 4096, 1>}, {transform_indices = @transform_5, window_bounds = array<i64: 2, 16>}, {transform_indices = @transform_6, window_bounds = array<i64: 2, 16>}, {pipeline_mode = #tpu.pipeline_mode<synchronous>, transform_indices = @transform_7, window_bounds = array<i64: 128, 64>}, {pipeline_mode = #tpu.pipeline_mode<synchronous>, transform_indices = @transform_8, window_bounds = array<i64: 1, 64>}, {pipeline_mode = #tpu.pipeline_mode<synchronous>, transform_indices = @transform_9, window_bounds = array<i64: 1, 64>}, {pipeline_mode = #tpu.pipeline_mode<synchronous>, transform_indices = @transform_10, window_bounds = array<i64: 1, 64>}, {pipeline_mode = #tpu.pipeline_mode<synchronous>, transform_indices = @transform_11, window_bounds = array<i64: 1, 64>}, {pipeline_mode = #tpu.pipeline_mode<synchronous>, transform_indices = @transform_12, window_bounds = array<i64: 64, 256>}, {pipeline_mode = #tpu.pipeline_mode<synchronous>, transform_indices = @transform_13, window_bounds = array<i64: 128, 256>}, {pipeline_mode = #tpu.pipeline_mode<synchronous>, transform_indices = @transform_14, window_bounds = array<i64: 1, 256>}, {pipeline_mode = #tpu.pipeline_mode<synchronous>, transform_indices = @transform_15, window_bounds = array<i64: 1, 256>}, {pipeline_mode = #tpu.pipeline_mode<synchronous>, transform_indices = @transform_16, window_bounds = array<i64: 1, 256>}, {pipeline_mode = #tpu.pipeline_mode<synchronous>, transform_indices = @transform_17, window_bounds = array<i64: 128, 64>}, {pipeline_mode = #tpu.pipeline_mode<synchronous>, transform_indices = @transform_18, window_bounds = array<i64: 1, 64>}, {pipeline_mode = #tpu.pipeline_mode<synchronous>, transform_indices = @transform_19, window_bounds = array<i64: 1, 64>}, {pipeline_mode = #tpu.pipeline_mode<synchronous>, transform_indices = @transform_20, window_bounds = array<i64: 1, 64>}, {pipeline_mode = #tpu.pipeline_mode<synchronous>, transform_indices = @transform_21, window_bounds = array<i64: 64, 256>}, {pipeline_mode = #tpu.pipeline_mode<synchronous>, transform_indices = @transform_22, window_bounds = array<i64: 128, 256>}, {pipeline_mode = #tpu.pipeline_mode<synchronous>, transform_indices = @transform_23, window_bounds = array<i64: 1, 256>}, {pipeline_mode = #tpu.pipeline_mode<synchronous>, transform_indices = @transform_24, window_bounds = array<i64: 1, 256>}, {pipeline_mode = #tpu.pipeline_mode<synchronous>, transform_indices = @transform_25, window_bounds = array<i64: 1, 256>}, {pipeline_mode = #tpu.pipeline_mode<synchronous>, transform_indices = @transform_26, window_bounds = array<i64: 256, 256>}, {pipeline_mode = #tpu.pipeline_mode<synchronous>, transform_indices = @transform_27, window_bounds = array<i64: 256, 256>}, {pipeline_mode = #tpu.pipeline_mode<synchronous>, transform_indices = @transform_28, window_bounds = array<i64: 256, 256>}, {pipeline_mode = #tpu.pipeline_mode<synchronous>, transform_indices = @transform_29, window_bounds = array<i64: 256, 256>}, {pipeline_mode = #tpu.pipeline_mode<synchronous>, transform_indices = @transform_30, window_bounds = array<i64: 1, 256>}, {pipeline_mode = #tpu.pipeline_mode<synchronous>, transform_indices = @transform_31, window_bounds = array<i64: 1, 256>}, {pipeline_mode = #tpu.pipeline_mode<synchronous>, transform_indices = @transform_32, window_bounds = array<i64: 1, 256>}, {transform_indices = @transform_33, window_bounds = array<i64: 1, 4096, 256>}]} {
    %scan3A = arith.constant 0 : i32
    %scan3A_0 = arith.constant 8 : i32
    %scan3A_1 = arith.addi %scan3A, %scan3A_0 : i32
    %scan3A_2 = arith.constant 1 : i32
    scf.for %scan3A_9 = %scan3A to %scan3A_1 step %scan3A_2  : i32 {
      %mul3A = arith.constant 2 : i32
      %mul3A_10 = arith.muli %mul3A, %scan3A_9 : i32
      %mul3A_11 = arith.constant 256 : i32
      %mul3A_12 = arith.muli %mul3A_10, %mul3A_11 : i32
      %get3A = arith.constant 0 : index
      %get3A_13 = arith.index_cast %mul3A_12 : i32 to index
      %get3A_14 = arith.constant 0 : index
      %get3A_15 = vector.load %arg1[%get3A, %get3A_13, %get3A_14] : memref<1x4096x128xf32, #tpu.memory_space<vmem>>, vector<1x256x128xf32>
      %get3A_16 = vector.shape_cast %get3A_15 : vector<1x256x128xf32> to vector<256x128xf32>
      %get3A_17 = arith.constant 0 : index
      %get3A_18 = arith.index_cast %mul3A_12 : i32 to index
      %get3A_19 = arith.constant 0 : index
      %get3A_20 = vector.load %arg2[%get3A_17, %get3A_18, %get3A_19] : memref<1x4096x128xf32, #tpu.memory_space<vmem>>, vector<1x256x128xf32>
      %get3A_21 = vector.shape_cast %get3A_20 : vector<1x256x128xf32> to vector<256x128xf32>
      %slice3A = vector.extract_strided_slice %get3A_21 {offsets = [0, 3], sizes = [256, 1], strides = [1, 1]} : vector<256x128xf32> to vector<256x1xf32>
      %max3A = arith.constant 1.000000e+00 : f32
      %max3A_22 = vector.broadcast %max3A : f32 to vector<256x1xf32>
      %max3A_23 = arith.maximumf %slice3A, %max3A_22 : vector<256x1xf32>
      %div3A = vector.broadcast %max3A_23 : vector<256x1xf32> to vector<256x128xf32>
      %div3A_24 = arith.divf %get3A_21, %div3A : vector<256x128xf32>
      %sub3A = arith.subf %get3A_16, %div3A_24 : vector<256x128xf32>
      %mul3A_25 = arith.mulf %sub3A, %sub3A : vector<256x128xf32>
      %reduce_sum3A = arith.constant dense<0.000000e+00> : vector<256xf32>
      %reduce_sum3A_26 = vector.multi_reduction <add>, %mul3A_25, %reduce_sum3A [1] : vector<256x128xf32> to vector<256xf32>
      %broadcast_in_dim3A = vector.shape_cast %reduce_sum3A_26 : vector<256xf32> to vector<256x1xf32>
      %sqrt3A = math.sqrt %broadcast_in_dim3A : vector<256x1xf32>
      %get3A_27 = arith.constant 0 : index
      %get3A_28 = arith.constant 0 : index
      %get3A_29 = vector.load %arg8[%get3A_27, %get3A_28] : memref<128x64xf32, #tpu.memory_space<vmem>>, vector<128x64xf32>
      %dot_general3A = arith.constant dense<0.000000e+00> : vector<256x64xf32>
      %dot_general3A_30 = tpu.matmul %sub3A, %get3A_29, %dot_general3A {dimension_numbers = #tpu.dot_dimension_numbers<[1], [0], [0], [1], [0, 0, 1, 1], [], []>, transpose_lhs_hint = false} : vector<256x128xf32>, vector<128x64xf32>, vector<256x64xf32> -> vector<256x64xf32>
      %get3A_31 = arith.constant 0 : index
      %get3A_32 = arith.constant 0 : index
      %get3A_33 = vector.load %arg9[%get3A_31, %get3A_32] : memref<1x64xf32, #tpu.memory_space<vmem>>, vector<1x64xf32>
      %mul3A_34 = vector.broadcast %sqrt3A : vector<256x1xf32> to vector<256x64xf32>
      %mul3A_35 = vector.broadcast %get3A_33 : vector<1x64xf32> to vector<256x64xf32>
      %mul3A_36 = arith.mulf %mul3A_34, %mul3A_35 : vector<256x64xf32>
      %add3A = arith.addf %dot_general3A_30, %mul3A_36 : vector<256x64xf32>
      %get3A_37 = arith.constant 0 : index
      %get3A_38 = arith.constant 0 : index
      %get3A_39 = vector.load %arg10[%get3A_37, %get3A_38] : memref<1x64xf32, #tpu.memory_space<vmem>>, vector<1x64xf32>
      %add3A_40 = vector.broadcast %get3A_39 : vector<1x64xf32> to vector<256x64xf32>
      %add3A_41 = arith.addf %add3A, %add3A_40 : vector<256x64xf32>
      %get3A_42 = arith.constant 0 : index
      %get3A_43 = arith.constant 0 : index
      %get3A_44 = vector.load %arg11[%get3A_42, %get3A_43] : memref<1x64xf32, #tpu.memory_space<vmem>>, vector<1x64xf32>
      %get3A_45 = arith.constant 0 : index
      %get3A_46 = arith.constant 0 : index
      %get3A_47 = vector.load %arg12[%get3A_45, %get3A_46] : memref<1x64xf32, #tpu.memory_space<vmem>>, vector<1x64xf32>
      %reduce_sum3A_48 = arith.constant dense<0.000000e+00> : vector<256xf32>
      %reduce_sum3A_49 = vector.multi_reduction <add>, %add3A_41, %reduce_sum3A_48 [1] : vector<256x64xf32> to vector<256xf32>
      %broadcast_in_dim3A_50 = vector.shape_cast %reduce_sum3A_49 : vector<256xf32> to vector<256x1xf32>
      %div3A_51 = arith.constant 6.400000e+01 : f32
      %div3A_52 = vector.broadcast %div3A_51 : f32 to vector<256x1xf32>
      %div3A_53 = arith.divf %broadcast_in_dim3A_50, %div3A_52 : vector<256x1xf32>
      %jit3A = arith.constant 0 : i32
      %reduce_sum3A_54 = arith.constant dense<0.000000e+00> : vector<256xf32>
      %reduce_sum3A_55 = vector.multi_reduction <add>, %add3A_41, %reduce_sum3A_54 [1] : vector<256x64xf32> to vector<256xf32>
      %broadcast_in_dim3A_56 = vector.shape_cast %reduce_sum3A_55 : vector<256xf32> to vector<256x1xf32>
      %div3A_57 = arith.constant 6.400000e+01 : f32
      %div3A_58 = vector.broadcast %div3A_57 : f32 to vector<256x1xf32>
      %div3A_59 = arith.divf %broadcast_in_dim3A_56, %div3A_58 : vector<256x1xf32>
      %sub3A_60 = vector.broadcast %div3A_59 : vector<256x1xf32> to vector<256x64xf32>
      %sub3A_61 = arith.subf %add3A_41, %sub3A_60 : vector<256x64xf32>
      %square3A = arith.mulf %sub3A_61, %sub3A_61 : vector<256x64xf32>
      %convert_element_type3A = arith.sitofp %jit3A : i32 to f32
      %sub3A_62 = arith.constant 6.400000e+01 : f32
      %sub3A_63 = arith.subf %sub3A_62, %convert_element_type3A : f32
      %reduce_sum3A_64 = arith.constant dense<0.000000e+00> : vector<256xf32>
      %reduce_sum3A_65 = vector.multi_reduction <add>, %square3A, %reduce_sum3A_64 [1] : vector<256x64xf32> to vector<256xf32>
      %broadcast_in_dim3A_66 = vector.shape_cast %reduce_sum3A_65 : vector<256xf32> to vector<256x1xf32>
      %div3A_67 = vector.broadcast %sub3A_63 : f32 to vector<256x1xf32>
      %div3A_68 = arith.divf %broadcast_in_dim3A_66, %div3A_67 : vector<256x1xf32>
      %gt3A = arith.constant 0.000000e+00 : f32
      %gt3A_69 = arith.cmpf ogt, %sub3A_63, %gt3A : f32
      %jit3A_70 = arith.constant 0x7FC00000 : f32
      %broadcast_in_dim3A_71 = vector.broadcast %jit3A_70 : f32 to vector<256x1xf32>
      %select_n3A = arith.select %gt3A_69, %div3A_68, %broadcast_in_dim3A_71 : vector<256x1xf32>
      %sub3A_72 = vector.broadcast %div3A_53 : vector<256x1xf32> to vector<256x64xf32>
      %sub3A_73 = arith.subf %add3A_41, %sub3A_72 : vector<256x64xf32>
      %add3A_74 = arith.constant 9.99999974E-6 : f32
      %add3A_75 = vector.broadcast %add3A_74 : f32 to vector<256x1xf32>
      %add3A_76 = arith.addf %select_n3A, %add3A_75 : vector<256x1xf32>
      %sqrt3A_77 = math.sqrt %add3A_76 : vector<256x1xf32>
      %div3A_78 = vector.broadcast %sqrt3A_77 : vector<256x1xf32> to vector<256x64xf32>
      %div3A_79 = arith.divf %sub3A_73, %div3A_78 : vector<256x64xf32>
      %mul3A_80 = vector.broadcast %get3A_44 : vector<1x64xf32> to vector<256x64xf32>
      %mul3A_81 = arith.mulf %div3A_79, %mul3A_80 : vector<256x64xf32>
      %add3A_82 = vector.broadcast %get3A_47 : vector<1x64xf32> to vector<256x64xf32>
      %add3A_83 = arith.addf %mul3A_81, %add3A_82 : vector<256x64xf32>
      %max3A_84 = arith.constant 0.000000e+00 : f32
      %max3A_85 = vector.broadcast %max3A_84 : f32 to vector<256x64xf32>
      %max3A_86 = arith.maximumf %add3A_83, %max3A_85 : vector<256x64xf32>
      %get3A_87 = arith.constant 0 : index
      %get3A_88 = arith.index_cast %mul3A_12 : i32 to index
      %get3A_89 = arith.constant 0 : index
      %get3A_90 = vector.load %arg3[%get3A_87, %get3A_88, %get3A_89] : memref<1x4096x128xf32, #tpu.memory_space<vmem>>, vector<1x256x128xf32>
      %get3A_91 = vector.shape_cast %get3A_90 : vector<1x256x128xf32> to vector<256x128xf32>
      %get3A_92 = arith.constant 0 : index
      %get3A_93 = arith.constant 0 : index
      %get3A_94 = vector.load %arg13[%get3A_92, %get3A_93] : memref<64x256xf32, #tpu.memory_space<vmem>>, vector<64x256xf32>
      %dot_general3A_95 = arith.constant dense<0.000000e+00> : vector<256x256xf32>
      %dot_general3A_96 = tpu.matmul %max3A_86, %get3A_94, %dot_general3A_95 {dimension_numbers = #tpu.dot_dimension_numbers<[1], [0], [0], [1], [0, 0, 1, 1], [], []>, transpose_lhs_hint = false} : vector<256x64xf32>, vector<64x256xf32>, vector<256x256xf32> -> vector<256x256xf32>
      %get3A_97 = arith.constant 0 : index
      %get3A_98 = arith.constant 0 : index
      %get3A_99 = vector.load %arg14[%get3A_97, %get3A_98] : memref<128x256xf32, #tpu.memory_space<vmem>>, vector<128x256xf32>
      %dot_general3A_100 = arith.constant dense<0.000000e+00> : vector<256x256xf32>
      %dot_general3A_101 = tpu.matmul %get3A_91, %get3A_99, %dot_general3A_100 {dimension_numbers = #tpu.dot_dimension_numbers<[1], [0], [0], [1], [0, 0, 1, 1], [], []>, transpose_lhs_hint = false} : vector<256x128xf32>, vector<128x256xf32>, vector<256x256xf32> -> vector<256x256xf32>
      %add3A_102 = arith.addf %dot_general3A_96, %dot_general3A_101 : vector<256x256xf32>
      %get3A_103 = arith.constant 0 : index
      %get3A_104 = arith.constant 0 : index
      %get3A_105 = vector.load %arg15[%get3A_103, %get3A_104] : memref<1x256xf32, #tpu.memory_space<vmem>>, vector<1x256xf32>
      %add3A_106 = vector.broadcast %get3A_105 : vector<1x256xf32> to vector<256x256xf32>
      %add3A_107 = arith.addf %add3A_102, %add3A_106 : vector<256x256xf32>
      %get3A_108 = arith.constant 0 : index
      %get3A_109 = arith.constant 0 : index
      %get3A_110 = vector.load %arg16[%get3A_108, %get3A_109] : memref<1x256xf32, #tpu.memory_space<vmem>>, vector<1x256xf32>
      %get3A_111 = arith.constant 0 : index
      %get3A_112 = arith.constant 0 : index
      %get3A_113 = vector.load %arg17[%get3A_111, %get3A_112] : memref<1x256xf32, #tpu.memory_space<vmem>>, vector<1x256xf32>
      %reduce_sum3A_114 = arith.constant dense<0.000000e+00> : vector<256xf32>
      %reduce_sum3A_115 = vector.multi_reduction <add>, %add3A_107, %reduce_sum3A_114 [1] : vector<256x256xf32> to vector<256xf32>
      %broadcast_in_dim3A_116 = vector.shape_cast %reduce_sum3A_115 : vector<256xf32> to vector<256x1xf32>
      %div3A_117 = arith.constant 2.560000e+02 : f32
      %div3A_118 = vector.broadcast %div3A_117 : f32 to vector<256x1xf32>
      %div3A_119 = arith.divf %broadcast_in_dim3A_116, %div3A_118 : vector<256x1xf32>
      %jit3A_120 = arith.constant 0 : i32
      %reduce_sum3A_121 = arith.constant dense<0.000000e+00> : vector<256xf32>
      %reduce_sum3A_122 = vector.multi_reduction <add>, %add3A_107, %reduce_sum3A_121 [1] : vector<256x256xf32> to vector<256xf32>
      %broadcast_in_dim3A_123 = vector.shape_cast %reduce_sum3A_122 : vector<256xf32> to vector<256x1xf32>
      %div3A_124 = arith.constant 2.560000e+02 : f32
      %div3A_125 = vector.broadcast %div3A_124 : f32 to vector<256x1xf32>
      %div3A_126 = arith.divf %broadcast_in_dim3A_123, %div3A_125 : vector<256x1xf32>
      %sub3A_127 = vector.broadcast %div3A_126 : vector<256x1xf32> to vector<256x256xf32>
      %sub3A_128 = arith.subf %add3A_107, %sub3A_127 : vector<256x256xf32>
      %square3A_129 = arith.mulf %sub3A_128, %sub3A_128 : vector<256x256xf32>
      %convert_element_type3A_130 = arith.sitofp %jit3A_120 : i32 to f32
      %sub3A_131 = arith.constant 2.560000e+02 : f32
      %sub3A_132 = arith.subf %sub3A_131, %convert_element_type3A_130 : f32
      %reduce_sum3A_133 = arith.constant dense<0.000000e+00> : vector<256xf32>
      %reduce_sum3A_134 = vector.multi_reduction <add>, %square3A_129, %reduce_sum3A_133 [1] : vector<256x256xf32> to vector<256xf32>
      %broadcast_in_dim3A_135 = vector.shape_cast %reduce_sum3A_134 : vector<256xf32> to vector<256x1xf32>
      %div3A_136 = vector.broadcast %sub3A_132 : f32 to vector<256x1xf32>
      %div3A_137 = arith.divf %broadcast_in_dim3A_135, %div3A_136 : vector<256x1xf32>
      %gt3A_138 = arith.constant 0.000000e+00 : f32
      %gt3A_139 = arith.cmpf ogt, %sub3A_132, %gt3A_138 : f32
      %jit3A_140 = arith.constant 0x7FC00000 : f32
      %broadcast_in_dim3A_141 = vector.broadcast %jit3A_140 : f32 to vector<256x1xf32>
      %select_n3A_142 = arith.select %gt3A_139, %div3A_137, %broadcast_in_dim3A_141 : vector<256x1xf32>
      %sub3A_143 = vector.broadcast %div3A_119 : vector<256x1xf32> to vector<256x256xf32>
      %sub3A_144 = arith.subf %add3A_107, %sub3A_143 : vector<256x256xf32>
      %add3A_145 = arith.constant 9.99999974E-6 : f32
      %add3A_146 = vector.broadcast %add3A_145 : f32 to vector<256x1xf32>
      %add3A_147 = arith.addf %select_n3A_142, %add3A_146 : vector<256x1xf32>
      %sqrt3A_148 = math.sqrt %add3A_147 : vector<256x1xf32>
      %div3A_149 = vector.broadcast %sqrt3A_148 : vector<256x1xf32> to vector<256x256xf32>
      %div3A_150 = arith.divf %sub3A_144, %div3A_149 : vector<256x256xf32>
      %mul3A_151 = vector.broadcast %get3A_110 : vector<1x256xf32> to vector<256x256xf32>
      %mul3A_152 = arith.mulf %div3A_150, %mul3A_151 : vector<256x256xf32>
      %add3A_153 = vector.broadcast %get3A_113 : vector<1x256xf32> to vector<256x256xf32>
      %add3A_154 = arith.addf %mul3A_152, %add3A_153 : vector<256x256xf32>
      %max3A_155 = arith.constant 0.000000e+00 : f32
      %max3A_156 = vector.broadcast %max3A_155 : f32 to vector<256x256xf32>
      %max3A_157 = arith.maximumf %add3A_154, %max3A_156 : vector<256x256xf32>
      %get3A_158 = arith.constant 0 : index
      %get3A_159 = arith.constant 0 : index
      %get3A_160 = vector.load %arg18[%get3A_158, %get3A_159] : memref<128x64xf32, #tpu.memory_space<vmem>>, vector<128x64xf32>
      %dot_general3A_161 = arith.constant dense<0.000000e+00> : vector<256x64xf32>
      %dot_general3A_162 = tpu.matmul %sub3A, %get3A_160, %dot_general3A_161 {dimension_numbers = #tpu.dot_dimension_numbers<[1], [0], [0], [1], [0, 0, 1, 1], [], []>, transpose_lhs_hint = false} : vector<256x128xf32>, vector<128x64xf32>, vector<256x64xf32> -> vector<256x64xf32>
      %get3A_163 = arith.constant 0 : index
      %get3A_164 = arith.constant 0 : index
      %get3A_165 = vector.load %arg19[%get3A_163, %get3A_164] : memref<1x64xf32, #tpu.memory_space<vmem>>, vector<1x64xf32>
      %add3A_166 = vector.broadcast %get3A_165 : vector<1x64xf32> to vector<256x64xf32>
      %add3A_167 = arith.addf %dot_general3A_162, %add3A_166 : vector<256x64xf32>
      %get3A_168 = arith.constant 0 : index
      %get3A_169 = arith.constant 0 : index
      %get3A_170 = vector.load %arg20[%get3A_168, %get3A_169] : memref<1x64xf32, #tpu.memory_space<vmem>>, vector<1x64xf32>
      %get3A_171 = arith.constant 0 : index
      %get3A_172 = arith.constant 0 : index
      %get3A_173 = vector.load %arg21[%get3A_171, %get3A_172] : memref<1x64xf32, #tpu.memory_space<vmem>>, vector<1x64xf32>
      %reduce_sum3A_174 = arith.constant dense<0.000000e+00> : vector<256xf32>
      %reduce_sum3A_175 = vector.multi_reduction <add>, %add3A_167, %reduce_sum3A_174 [1] : vector<256x64xf32> to vector<256xf32>
      %broadcast_in_dim3A_176 = vector.shape_cast %reduce_sum3A_175 : vector<256xf32> to vector<256x1xf32>
      %div3A_177 = arith.constant 6.400000e+01 : f32
      %div3A_178 = vector.broadcast %div3A_177 : f32 to vector<256x1xf32>
      %div3A_179 = arith.divf %broadcast_in_dim3A_176, %div3A_178 : vector<256x1xf32>
      %jit3A_180 = arith.constant 0 : i32
      %reduce_sum3A_181 = arith.constant dense<0.000000e+00> : vector<256xf32>
      %reduce_sum3A_182 = vector.multi_reduction <add>, %add3A_167, %reduce_sum3A_181 [1] : vector<256x64xf32> to vector<256xf32>
      %broadcast_in_dim3A_183 = vector.shape_cast %reduce_sum3A_182 : vector<256xf32> to vector<256x1xf32>
      %div3A_184 = arith.constant 6.400000e+01 : f32
      %div3A_185 = vector.broadcast %div3A_184 : f32 to vector<256x1xf32>
      %div3A_186 = arith.divf %broadcast_in_dim3A_183, %div3A_185 : vector<256x1xf32>
      %sub3A_187 = vector.broadcast %div3A_186 : vector<256x1xf32> to vector<256x64xf32>
      %sub3A_188 = arith.subf %add3A_167, %sub3A_187 : vector<256x64xf32>
      %square3A_189 = arith.mulf %sub3A_188, %sub3A_188 : vector<256x64xf32>
      %convert_element_type3A_190 = arith.sitofp %jit3A_180 : i32 to f32
      %sub3A_191 = arith.constant 6.400000e+01 : f32
      %sub3A_192 = arith.subf %sub3A_191, %convert_element_type3A_190 : f32
      %reduce_sum3A_193 = arith.constant dense<0.000000e+00> : vector<256xf32>
      %reduce_sum3A_194 = vector.multi_reduction <add>, %square3A_189, %reduce_sum3A_193 [1] : vector<256x64xf32> to vector<256xf32>
      %broadcast_in_dim3A_195 = vector.shape_cast %reduce_sum3A_194 : vector<256xf32> to vector<256x1xf32>
      %div3A_196 = vector.broadcast %sub3A_192 : f32 to vector<256x1xf32>
      %div3A_197 = arith.divf %broadcast_in_dim3A_195, %div3A_196 : vector<256x1xf32>
      %gt3A_198 = arith.constant 0.000000e+00 : f32
      %gt3A_199 = arith.cmpf ogt, %sub3A_192, %gt3A_198 : f32
      %jit3A_200 = arith.constant 0x7FC00000 : f32
      %broadcast_in_dim3A_201 = vector.broadcast %jit3A_200 : f32 to vector<256x1xf32>
      %select_n3A_202 = arith.select %gt3A_199, %div3A_197, %broadcast_in_dim3A_201 : vector<256x1xf32>
      %sub3A_203 = vector.broadcast %div3A_179 : vector<256x1xf32> to vector<256x64xf32>
      %sub3A_204 = arith.subf %add3A_167, %sub3A_203 : vector<256x64xf32>
      %add3A_205 = arith.constant 9.99999974E-6 : f32
      %add3A_206 = vector.broadcast %add3A_205 : f32 to vector<256x1xf32>
      %add3A_207 = arith.addf %select_n3A_202, %add3A_206 : vector<256x1xf32>
      %sqrt3A_208 = math.sqrt %add3A_207 : vector<256x1xf32>
      %div3A_209 = vector.broadcast %sqrt3A_208 : vector<256x1xf32> to vector<256x64xf32>
      %div3A_210 = arith.divf %sub3A_204, %div3A_209 : vector<256x64xf32>
      %mul3A_211 = vector.broadcast %get3A_170 : vector<1x64xf32> to vector<256x64xf32>
      %mul3A_212 = arith.mulf %div3A_210, %mul3A_211 : vector<256x64xf32>
      %add3A_213 = vector.broadcast %get3A_173 : vector<1x64xf32> to vector<256x64xf32>
      %add3A_214 = arith.addf %mul3A_212, %add3A_213 : vector<256x64xf32>
      %max3A_215 = arith.constant 0.000000e+00 : f32
      %max3A_216 = vector.broadcast %max3A_215 : f32 to vector<256x64xf32>
      %max3A_217 = arith.maximumf %add3A_214, %max3A_216 : vector<256x64xf32>
      %get3A_218 = arith.constant 0 : index
      %get3A_219 = arith.constant 0 : index
      %get3A_220 = vector.load %arg22[%get3A_218, %get3A_219] : memref<64x256xf32, #tpu.memory_space<vmem>>, vector<64x256xf32>
      %dot_general3A_221 = arith.constant dense<0.000000e+00> : vector<256x256xf32>
      %dot_general3A_222 = tpu.matmul %max3A_217, %get3A_220, %dot_general3A_221 {dimension_numbers = #tpu.dot_dimension_numbers<[1], [0], [0], [1], [0, 0, 1, 1], [], []>, transpose_lhs_hint = false} : vector<256x64xf32>, vector<64x256xf32>, vector<256x256xf32> -> vector<256x256xf32>
      %get3A_223 = arith.constant 0 : index
      %get3A_224 = arith.constant 0 : index
      %get3A_225 = vector.load %arg23[%get3A_223, %get3A_224] : memref<128x256xf32, #tpu.memory_space<vmem>>, vector<128x256xf32>
      %dot_general3A_226 = arith.constant dense<0.000000e+00> : vector<256x256xf32>
      %dot_general3A_227 = tpu.matmul %get3A_91, %get3A_225, %dot_general3A_226 {dimension_numbers = #tpu.dot_dimension_numbers<[1], [0], [0], [1], [0, 0, 1, 1], [], []>, transpose_lhs_hint = false} : vector<256x128xf32>, vector<128x256xf32>, vector<256x256xf32> -> vector<256x256xf32>
      %add3A_228 = arith.addf %dot_general3A_222, %dot_general3A_227 : vector<256x256xf32>
      %get3A_229 = arith.constant 0 : index
      %get3A_230 = arith.constant 0 : index
      %get3A_231 = vector.load %arg24[%get3A_229, %get3A_230] : memref<1x256xf32, #tpu.memory_space<vmem>>, vector<1x256xf32>
      %add3A_232 = vector.broadcast %get3A_231 : vector<1x256xf32> to vector<256x256xf32>
      %add3A_233 = arith.addf %add3A_228, %add3A_232 : vector<256x256xf32>
      %get3A_234 = arith.constant 0 : index
      %get3A_235 = arith.constant 0 : index
      %get3A_236 = vector.load %arg25[%get3A_234, %get3A_235] : memref<1x256xf32, #tpu.memory_space<vmem>>, vector<1x256xf32>
      %get3A_237 = arith.constant 0 : index
      %get3A_238 = arith.constant 0 : index
      %get3A_239 = vector.load %arg26[%get3A_237, %get3A_238] : memref<1x256xf32, #tpu.memory_space<vmem>>, vector<1x256xf32>
      %reduce_sum3A_240 = arith.constant dense<0.000000e+00> : vector<256xf32>
      %reduce_sum3A_241 = vector.multi_reduction <add>, %add3A_233, %reduce_sum3A_240 [1] : vector<256x256xf32> to vector<256xf32>
      %broadcast_in_dim3A_242 = vector.shape_cast %reduce_sum3A_241 : vector<256xf32> to vector<256x1xf32>
      %div3A_243 = arith.constant 2.560000e+02 : f32
      %div3A_244 = vector.broadcast %div3A_243 : f32 to vector<256x1xf32>
      %div3A_245 = arith.divf %broadcast_in_dim3A_242, %div3A_244 : vector<256x1xf32>
      %jit3A_246 = arith.constant 0 : i32
      %reduce_sum3A_247 = arith.constant dense<0.000000e+00> : vector<256xf32>
      %reduce_sum3A_248 = vector.multi_reduction <add>, %add3A_233, %reduce_sum3A_247 [1] : vector<256x256xf32> to vector<256xf32>
      %broadcast_in_dim3A_249 = vector.shape_cast %reduce_sum3A_248 : vector<256xf32> to vector<256x1xf32>
      %div3A_250 = arith.constant 2.560000e+02 : f32
      %div3A_251 = vector.broadcast %div3A_250 : f32 to vector<256x1xf32>
      %div3A_252 = arith.divf %broadcast_in_dim3A_249, %div3A_251 : vector<256x1xf32>
      %sub3A_253 = vector.broadcast %div3A_252 : vector<256x1xf32> to vector<256x256xf32>
      %sub3A_254 = arith.subf %add3A_233, %sub3A_253 : vector<256x256xf32>
      %square3A_255 = arith.mulf %sub3A_254, %sub3A_254 : vector<256x256xf32>
      %convert_element_type3A_256 = arith.sitofp %jit3A_246 : i32 to f32
      %sub3A_257 = arith.constant 2.560000e+02 : f32
      %sub3A_258 = arith.subf %sub3A_257, %convert_element_type3A_256 : f32
      %reduce_sum3A_259 = arith.constant dense<0.000000e+00> : vector<256xf32>
      %reduce_sum3A_260 = vector.multi_reduction <add>, %square3A_255, %reduce_sum3A_259 [1] : vector<256x256xf32> to vector<256xf32>
      %broadcast_in_dim3A_261 = vector.shape_cast %reduce_sum3A_260 : vector<256xf32> to vector<256x1xf32>
      %div3A_262 = vector.broadcast %sub3A_258 : f32 to vector<256x1xf32>
      %div3A_263 = arith.divf %broadcast_in_dim3A_261, %div3A_262 : vector<256x1xf32>
      %gt3A_264 = arith.constant 0.000000e+00 : f32
      %gt3A_265 = arith.cmpf ogt, %sub3A_258, %gt3A_264 : f32
      %jit3A_266 = arith.constant 0x7FC00000 : f32
      %broadcast_in_dim3A_267 = vector.broadcast %jit3A_266 : f32 to vector<256x1xf32>
      %select_n3A_268 = arith.select %gt3A_265, %div3A_263, %broadcast_in_dim3A_267 : vector<256x1xf32>
      %sub3A_269 = vector.broadcast %div3A_245 : vector<256x1xf32> to vector<256x256xf32>
      %sub3A_270 = arith.subf %add3A_233, %sub3A_269 : vector<256x256xf32>
      %add3A_271 = arith.constant 9.99999974E-6 : f32
      %add3A_272 = vector.broadcast %add3A_271 : f32 to vector<256x1xf32>
      %add3A_273 = arith.addf %select_n3A_268, %add3A_272 : vector<256x1xf32>
      %sqrt3A_274 = math.sqrt %add3A_273 : vector<256x1xf32>
      %div3A_275 = vector.broadcast %sqrt3A_274 : vector<256x1xf32> to vector<256x256xf32>
      %div3A_276 = arith.divf %sub3A_270, %div3A_275 : vector<256x256xf32>
      %mul3A_277 = vector.broadcast %get3A_236 : vector<1x256xf32> to vector<256x256xf32>
      %mul3A_278 = arith.mulf %div3A_276, %mul3A_277 : vector<256x256xf32>
      %add3A_279 = vector.broadcast %get3A_239 : vector<1x256xf32> to vector<256x256xf32>
      %add3A_280 = arith.addf %mul3A_278, %add3A_279 : vector<256x256xf32>
      %max3A_281 = arith.constant 0.000000e+00 : f32
      %max3A_282 = vector.broadcast %max3A_281 : f32 to vector<256x256xf32>
      %max3A_283 = arith.maximumf %add3A_280, %max3A_282 : vector<256x256xf32>
      %swap3A = arith.index_cast %mul3A_12 : i32 to index
      %swap3A_284 = arith.constant 0 : index
      %swap3A_285 = vector.load %arg35[%swap3A, %swap3A_284] : memref<4096x256xf32, #tpu.memory_space<vmem>>, vector<256x256xf32>
      tpu.vector_store %arg35[%swap3A, %swap3A_284], %max3A_157 {strides = array<i32>} : memref<4096x256xf32, #tpu.memory_space<vmem>>, vector<256x256xf32>,
      %get3A_286 = arith.constant 0 : index
      %get3A_287 = arith.constant 0 : index
      %get3A_288 = vector.load %arg27[%get3A_286, %get3A_287] : memref<256x256xf32, #tpu.memory_space<vmem>>, vector<256x256xf32>
      %dot_general3A_289 = arith.constant dense<0.000000e+00> : vector<256x256xf32>
      %dot_general3A_290 = tpu.matmul %max3A_283, %get3A_288, %dot_general3A_289 {dimension_numbers = #tpu.dot_dimension_numbers<[1], [0], [0], [1], [0, 0, 1, 1], [], []>, transpose_lhs_hint = false} : vector<256x256xf32>, vector<256x256xf32>, vector<256x256xf32> -> vector<256x256xf32>
      %mul3A_291 = arith.constant 6.250000e-02 : f32
      %mul3A_292 = vector.broadcast %mul3A_291 : f32 to vector<256x256xf32>
      %mul3A_293 = arith.mulf %dot_general3A_290, %mul3A_292 : vector<256x256xf32>
      %swap3A_294 = arith.index_cast %mul3A_12 : i32 to index
      %swap3A_295 = arith.constant 0 : index
      %swap3A_296 = vector.load %arg36[%swap3A_294, %swap3A_295] : memref<4096x256xf32, #tpu.memory_space<vmem>>, vector<256x256xf32>
      tpu.vector_store %arg36[%swap3A_294, %swap3A_295], %mul3A_293 {strides = array<i32>} : memref<4096x256xf32, #tpu.memory_space<vmem>>, vector<256x256xf32>,
      %get3A_297 = arith.constant 0 : index
      %get3A_298 = arith.constant 0 : index
      %get3A_299 = vector.load %arg28[%get3A_297, %get3A_298] : memref<256x256xf32, #tpu.memory_space<vmem>>, vector<256x256xf32>
      %dot_general3A_300 = arith.constant dense<0.000000e+00> : vector<256x256xf32>
      %dot_general3A_301 = tpu.matmul %max3A_283, %get3A_299, %dot_general3A_300 {dimension_numbers = #tpu.dot_dimension_numbers<[1], [0], [0], [1], [0, 0, 1, 1], [], []>, transpose_lhs_hint = false} : vector<256x256xf32>, vector<256x256xf32>, vector<256x256xf32> -> vector<256x256xf32>
      %swap3A_302 = arith.index_cast %mul3A_12 : i32 to index
      %swap3A_303 = arith.constant 0 : index
      %swap3A_304 = vector.load %arg37[%swap3A_302, %swap3A_303] : memref<4096x256xf32, #tpu.memory_space<vmem>>, vector<256x256xf32>
      tpu.vector_store %arg37[%swap3A_302, %swap3A_303], %dot_general3A_301 {strides = array<i32>} : memref<4096x256xf32, #tpu.memory_space<vmem>>, vector<256x256xf32>,
      %get3A_305 = arith.constant 0 : index
      %get3A_306 = arith.constant 0 : index
      %get3A_307 = vector.load %arg29[%get3A_305, %get3A_306] : memref<256x256xf32, #tpu.memory_space<vmem>>, vector<256x256xf32>
      %dot_general3A_308 = arith.constant dense<0.000000e+00> : vector<256x256xf32>
      %dot_general3A_309 = tpu.matmul %max3A_157, %get3A_307, %dot_general3A_308 {dimension_numbers = #tpu.dot_dimension_numbers<[1], [0], [0], [1], [0, 0, 1, 1], [], []>, transpose_lhs_hint = false} : vector<256x256xf32>, vector<256x256xf32>, vector<256x256xf32> -> vector<256x256xf32>
      %swap3A_310 = arith.index_cast %mul3A_12 : i32 to index
      %swap3A_311 = arith.constant 0 : index
      %swap3A_312 = vector.load %arg38[%swap3A_310, %swap3A_311] : memref<4096x256xf32, #tpu.memory_space<vmem>>, vector<256x256xf32>
      tpu.vector_store %arg38[%swap3A_310, %swap3A_311], %dot_general3A_309 {strides = array<i32>} : memref<4096x256xf32, #tpu.memory_space<vmem>>, vector<256x256xf32>,
      %mul3A_313 = arith.constant 2 : i32
      %mul3A_314 = arith.muli %mul3A_313, %scan3A_9 : i32
      %add3A_315 = arith.constant 1 : i32
      %add3A_316 = arith.addi %mul3A_314, %add3A_315 : i32
      %mul3A_317 = arith.constant 256 : i32
      %mul3A_318 = arith.muli %add3A_316, %mul3A_317 : i32
      %get3A_319 = arith.constant 0 : index
      %get3A_320 = arith.index_cast %mul3A_318 : i32 to index
      %get3A_321 = arith.constant 0 : index
      %get3A_322 = vector.load %arg1[%get3A_319, %get3A_320, %get3A_321] : memref<1x4096x128xf32, #tpu.memory_space<vmem>>, vector<1x256x128xf32>
      %get3A_323 = vector.shape_cast %get3A_322 : vector<1x256x128xf32> to vector<256x128xf32>
      %get3A_324 = arith.constant 0 : index
      %get3A_325 = arith.index_cast %mul3A_318 : i32 to index
      %get3A_326 = arith.constant 0 : index
      %get3A_327 = vector.load %arg2[%get3A_324, %get3A_325, %get3A_326] : memref<1x4096x128xf32, #tpu.memory_space<vmem>>, vector<1x256x128xf32>
      %get3A_328 = vector.shape_cast %get3A_327 : vector<1x256x128xf32> to vector<256x128xf32>
      %slice3A_329 = vector.extract_strided_slice %get3A_328 {offsets = [0, 3], sizes = [256, 1], strides = [1, 1]} : vector<256x128xf32> to vector<256x1xf32>
      %max3A_330 = arith.constant 1.000000e+00 : f32
      %max3A_331 = vector.broadcast %max3A_330 : f32 to vector<256x1xf32>
      %max3A_332 = arith.maximumf %slice3A_329, %max3A_331 : vector<256x1xf32>
      %div3A_333 = vector.broadcast %max3A_332 : vector<256x1xf32> to vector<256x128xf32>
      %div3A_334 = arith.divf %get3A_328, %div3A_333 : vector<256x128xf32>
      %sub3A_335 = arith.subf %get3A_323, %div3A_334 : vector<256x128xf32>
      %mul3A_336 = arith.mulf %sub3A_335, %sub3A_335 : vector<256x128xf32>
      %reduce_sum3A_337 = arith.constant dense<0.000000e+00> : vector<256xf32>
      %reduce_sum3A_338 = vector.multi_reduction <add>, %mul3A_336, %reduce_sum3A_337 [1] : vector<256x128xf32> to vector<256xf32>
      %broadcast_in_dim3A_339 = vector.shape_cast %reduce_sum3A_338 : vector<256xf32> to vector<256x1xf32>
      %sqrt3A_340 = math.sqrt %broadcast_in_dim3A_339 : vector<256x1xf32>
      %get3A_341 = arith.constant 0 : index
      %get3A_342 = arith.constant 0 : index
      %get3A_343 = vector.load %arg8[%get3A_341, %get3A_342] : memref<128x64xf32, #tpu.memory_space<vmem>>, vector<128x64xf32>
      %dot_general3A_344 = arith.constant dense<0.000000e+00> : vector<256x64xf32>
      %dot_general3A_345 = tpu.matmul %sub3A_335, %get3A_343, %dot_general3A_344 {dimension_numbers = #tpu.dot_dimension_numbers<[1], [0], [0], [1], [0, 0, 1, 1], [], []>, transpose_lhs_hint = false} : vector<256x128xf32>, vector<128x64xf32>, vector<256x64xf32> -> vector<256x64xf32>
      %get3A_346 = arith.constant 0 : index
      %get3A_347 = arith.constant 0 : index
      %get3A_348 = vector.load %arg9[%get3A_346, %get3A_347] : memref<1x64xf32, #tpu.memory_space<vmem>>, vector<1x64xf32>
      %mul3A_349 = vector.broadcast %sqrt3A_340 : vector<256x1xf32> to vector<256x64xf32>
      %mul3A_350 = vector.broadcast %get3A_348 : vector<1x64xf32> to vector<256x64xf32>
      %mul3A_351 = arith.mulf %mul3A_349, %mul3A_350 : vector<256x64xf32>
      %add3A_352 = arith.addf %dot_general3A_345, %mul3A_351 : vector<256x64xf32>
      %get3A_353 = arith.constant 0 : index
      %get3A_354 = arith.constant 0 : index
      %get3A_355 = vector.load %arg10[%get3A_353, %get3A_354] : memref<1x64xf32, #tpu.memory_space<vmem>>, vector<1x64xf32>
      %add3A_356 = vector.broadcast %get3A_355 : vector<1x64xf32> to vector<256x64xf32>
      %add3A_357 = arith.addf %add3A_352, %add3A_356 : vector<256x64xf32>
      %get3A_358 = arith.constant 0 : index
      %get3A_359 = arith.constant 0 : index
      %get3A_360 = vector.load %arg11[%get3A_358, %get3A_359] : memref<1x64xf32, #tpu.memory_space<vmem>>, vector<1x64xf32>
      %get3A_361 = arith.constant 0 : index
      %get3A_362 = arith.constant 0 : index
      %get3A_363 = vector.load %arg12[%get3A_361, %get3A_362] : memref<1x64xf32, #tpu.memory_space<vmem>>, vector<1x64xf32>
      %reduce_sum3A_364 = arith.constant dense<0.000000e+00> : vector<256xf32>
      %reduce_sum3A_365 = vector.multi_reduction <add>, %add3A_357, %reduce_sum3A_364 [1] : vector<256x64xf32> to vector<256xf32>
      %broadcast_in_dim3A_366 = vector.shape_cast %reduce_sum3A_365 : vector<256xf32> to vector<256x1xf32>
      %div3A_367 = arith.constant 6.400000e+01 : f32
      %div3A_368 = vector.broadcast %div3A_367 : f32 to vector<256x1xf32>
      %div3A_369 = arith.divf %broadcast_in_dim3A_366, %div3A_368 : vector<256x1xf32>
      %jit3A_370 = arith.constant 0 : i32
      %reduce_sum3A_371 = arith.constant dense<0.000000e+00> : vector<256xf32>
      %reduce_sum3A_372 = vector.multi_reduction <add>, %add3A_357, %reduce_sum3A_371 [1] : vector<256x64xf32> to vector<256xf32>
      %broadcast_in_dim3A_373 = vector.shape_cast %reduce_sum3A_372 : vector<256xf32> to vector<256x1xf32>
      %div3A_374 = arith.constant 6.400000e+01 : f32
      %div3A_375 = vector.broadcast %div3A_374 : f32 to vector<256x1xf32>
      %div3A_376 = arith.divf %broadcast_in_dim3A_373, %div3A_375 : vector<256x1xf32>
      %sub3A_377 = vector.broadcast %div3A_376 : vector<256x1xf32> to vector<256x64xf32>
      %sub3A_378 = arith.subf %add3A_357, %sub3A_377 : vector<256x64xf32>
      %square3A_379 = arith.mulf %sub3A_378, %sub3A_378 : vector<256x64xf32>
      %convert_element_type3A_380 = arith.sitofp %jit3A_370 : i32 to f32
      %sub3A_381 = arith.constant 6.400000e+01 : f32
      %sub3A_382 = arith.subf %sub3A_381, %convert_element_type3A_380 : f32
      %reduce_sum3A_383 = arith.constant dense<0.000000e+00> : vector<256xf32>
      %reduce_sum3A_384 = vector.multi_reduction <add>, %square3A_379, %reduce_sum3A_383 [1] : vector<256x64xf32> to vector<256xf32>
      %broadcast_in_dim3A_385 = vector.shape_cast %reduce_sum3A_384 : vector<256xf32> to vector<256x1xf32>
      %div3A_386 = vector.broadcast %sub3A_382 : f32 to vector<256x1xf32>
      %div3A_387 = arith.divf %broadcast_in_dim3A_385, %div3A_386 : vector<256x1xf32>
      %gt3A_388 = arith.constant 0.000000e+00 : f32
      %gt3A_389 = arith.cmpf ogt, %sub3A_382, %gt3A_388 : f32
      %jit3A_390 = arith.constant 0x7FC00000 : f32
      %broadcast_in_dim3A_391 = vector.broadcast %jit3A_390 : f32 to vector<256x1xf32>
      %select_n3A_392 = arith.select %gt3A_389, %div3A_387, %broadcast_in_dim3A_391 : vector<256x1xf32>
      %sub3A_393 = vector.broadcast %div3A_369 : vector<256x1xf32> to vector<256x64xf32>
      %sub3A_394 = arith.subf %add3A_357, %sub3A_393 : vector<256x64xf32>
      %add3A_395 = arith.constant 9.99999974E-6 : f32
      %add3A_396 = vector.broadcast %add3A_395 : f32 to vector<256x1xf32>
      %add3A_397 = arith.addf %select_n3A_392, %add3A_396 : vector<256x1xf32>
      %sqrt3A_398 = math.sqrt %add3A_397 : vector<256x1xf32>
      %div3A_399 = vector.broadcast %sqrt3A_398 : vector<256x1xf32> to vector<256x64xf32>
      %div3A_400 = arith.divf %sub3A_394, %div3A_399 : vector<256x64xf32>
      %mul3A_401 = vector.broadcast %get3A_360 : vector<1x64xf32> to vector<256x64xf32>
      %mul3A_402 = arith.mulf %div3A_400, %mul3A_401 : vector<256x64xf32>
      %add3A_403 = vector.broadcast %get3A_363 : vector<1x64xf32> to vector<256x64xf32>
      %add3A_404 = arith.addf %mul3A_402, %add3A_403 : vector<256x64xf32>
      %max3A_405 = arith.constant 0.000000e+00 : f32
      %max3A_406 = vector.broadcast %max3A_405 : f32 to vector<256x64xf32>
      %max3A_407 = arith.maximumf %add3A_404, %max3A_406 : vector<256x64xf32>
      %get3A_408 = arith.constant 0 : index
      %get3A_409 = arith.index_cast %mul3A_318 : i32 to index
      %get3A_410 = arith.constant 0 : index
      %get3A_411 = vector.load %arg3[%get3A_408, %get3A_409, %get3A_410] : memref<1x4096x128xf32, #tpu.memory_space<vmem>>, vector<1x256x128xf32>
      %get3A_412 = vector.shape_cast %get3A_411 : vector<1x256x128xf32> to vector<256x128xf32>
      %get3A_413 = arith.constant 0 : index
      %get3A_414 = arith.constant 0 : index
      %get3A_415 = vector.load %arg13[%get3A_413, %get3A_414] : memref<64x256xf32, #tpu.memory_space<vmem>>, vector<64x256xf32>
      %dot_general3A_416 = arith.constant dense<0.000000e+00> : vector<256x256xf32>
      %dot_general3A_417 = tpu.matmul %max3A_407, %get3A_415, %dot_general3A_416 {dimension_numbers = #tpu.dot_dimension_numbers<[1], [0], [0], [1], [0, 0, 1, 1], [], []>, transpose_lhs_hint = false} : vector<256x64xf32>, vector<64x256xf32>, vector<256x256xf32> -> vector<256x256xf32>
      %get3A_418 = arith.constant 0 : index
      %get3A_419 = arith.constant 0 : index
      %get3A_420 = vector.load %arg14[%get3A_418, %get3A_419] : memref<128x256xf32, #tpu.memory_space<vmem>>, vector<128x256xf32>
      %dot_general3A_421 = arith.constant dense<0.000000e+00> : vector<256x256xf32>
      %dot_general3A_422 = tpu.matmul %get3A_412, %get3A_420, %dot_general3A_421 {dimension_numbers = #tpu.dot_dimension_numbers<[1], [0], [0], [1], [0, 0, 1, 1], [], []>, transpose_lhs_hint = false} : vector<256x128xf32>, vector<128x256xf32>, vector<256x256xf32> -> vector<256x256xf32>
      %add3A_423 = arith.addf %dot_general3A_417, %dot_general3A_422 : vector<256x256xf32>
      %get3A_424 = arith.constant 0 : index
      %get3A_425 = arith.constant 0 : index
      %get3A_426 = vector.load %arg15[%get3A_424, %get3A_425] : memref<1x256xf32, #tpu.memory_space<vmem>>, vector<1x256xf32>
      %add3A_427 = vector.broadcast %get3A_426 : vector<1x256xf32> to vector<256x256xf32>
      %add3A_428 = arith.addf %add3A_423, %add3A_427 : vector<256x256xf32>
      %get3A_429 = arith.constant 0 : index
      %get3A_430 = arith.constant 0 : index
      %get3A_431 = vector.load %arg16[%get3A_429, %get3A_430] : memref<1x256xf32, #tpu.memory_space<vmem>>, vector<1x256xf32>
      %get3A_432 = arith.constant 0 : index
      %get3A_433 = arith.constant 0 : index
      %get3A_434 = vector.load %arg17[%get3A_432, %get3A_433] : memref<1x256xf32, #tpu.memory_space<vmem>>, vector<1x256xf32>
      %reduce_sum3A_435 = arith.constant dense<0.000000e+00> : vector<256xf32>
      %reduce_sum3A_436 = vector.multi_reduction <add>, %add3A_428, %reduce_sum3A_435 [1] : vector<256x256xf32> to vector<256xf32>
      %broadcast_in_dim3A_437 = vector.shape_cast %reduce_sum3A_436 : vector<256xf32> to vector<256x1xf32>
      %div3A_438 = arith.constant 2.560000e+02 : f32
      %div3A_439 = vector.broadcast %div3A_438 : f32 to vector<256x1xf32>
      %div3A_440 = arith.divf %broadcast_in_dim3A_437, %div3A_439 : vector<256x1xf32>
      %jit3A_441 = arith.constant 0 : i32
      %reduce_sum3A_442 = arith.constant dense<0.000000e+00> : vector<256xf32>
      %reduce_sum3A_443 = vector.multi_reduction <add>, %add3A_428, %reduce_sum3A_442 [1] : vector<256x256xf32> to vector<256xf32>
      %broadcast_in_dim3A_444 = vector.shape_cast %reduce_sum3A_443 : vector<256xf32> to vector<256x1xf32>
      %div3A_445 = arith.constant 2.560000e+02 : f32
      %div3A_446 = vector.broadcast %div3A_445 : f32 to vector<256x1xf32>
      %div3A_447 = arith.divf %broadcast_in_dim3A_444, %div3A_446 : vector<256x1xf32>
      %sub3A_448 = vector.broadcast %div3A_447 : vector<256x1xf32> to vector<256x256xf32>
      %sub3A_449 = arith.subf %add3A_428, %sub3A_448 : vector<256x256xf32>
      %square3A_450 = arith.mulf %sub3A_449, %sub3A_449 : vector<256x256xf32>
      %convert_element_type3A_451 = arith.sitofp %jit3A_441 : i32 to f32
      %sub3A_452 = arith.constant 2.560000e+02 : f32
      %sub3A_453 = arith.subf %sub3A_452, %convert_element_type3A_451 : f32
      %reduce_sum3A_454 = arith.constant dense<0.000000e+00> : vector<256xf32>
      %reduce_sum3A_455 = vector.multi_reduction <add>, %square3A_450, %reduce_sum3A_454 [1] : vector<256x256xf32> to vector<256xf32>
      %broadcast_in_dim3A_456 = vector.shape_cast %reduce_sum3A_455 : vector<256xf32> to vector<256x1xf32>
      %div3A_457 = vector.broadcast %sub3A_453 : f32 to vector<256x1xf32>
      %div3A_458 = arith.divf %broadcast_in_dim3A_456, %div3A_457 : vector<256x1xf32>
      %gt3A_459 = arith.constant 0.000000e+00 : f32
      %gt3A_460 = arith.cmpf ogt, %sub3A_453, %gt3A_459 : f32
      %jit3A_461 = arith.constant 0x7FC00000 : f32
      %broadcast_in_dim3A_462 = vector.broadcast %jit3A_461 : f32 to vector<256x1xf32>
      %select_n3A_463 = arith.select %gt3A_460, %div3A_458, %broadcast_in_dim3A_462 : vector<256x1xf32>
      %sub3A_464 = vector.broadcast %div3A_440 : vector<256x1xf32> to vector<256x256xf32>
      %sub3A_465 = arith.subf %add3A_428, %sub3A_464 : vector<256x256xf32>
      %add3A_466 = arith.constant 9.99999974E-6 : f32
      %add3A_467 = vector.broadcast %add3A_466 : f32 to vector<256x1xf32>
      %add3A_468 = arith.addf %select_n3A_463, %add3A_467 : vector<256x1xf32>
      %sqrt3A_469 = math.sqrt %add3A_468 : vector<256x1xf32>
      %div3A_470 = vector.broadcast %sqrt3A_469 : vector<256x1xf32> to vector<256x256xf32>
      %div3A_471 = arith.divf %sub3A_465, %div3A_470 : vector<256x256xf32>
      %mul3A_472 = vector.broadcast %get3A_431 : vector<1x256xf32> to vector<256x256xf32>
      %mul3A_473 = arith.mulf %div3A_471, %mul3A_472 : vector<256x256xf32>
      %add3A_474 = vector.broadcast %get3A_434 : vector<1x256xf32> to vector<256x256xf32>
      %add3A_475 = arith.addf %mul3A_473, %add3A_474 : vector<256x256xf32>
      %max3A_476 = arith.constant 0.000000e+00 : f32
      %max3A_477 = vector.broadcast %max3A_476 : f32 to vector<256x256xf32>
      %max3A_478 = arith.maximumf %add3A_475, %max3A_477 : vector<256x256xf32>
      %get3A_479 = arith.constant 0 : index
      %get3A_480 = arith.constant 0 : index
      %get3A_481 = vector.load %arg18[%get3A_479, %get3A_480] : memref<128x64xf32, #tpu.memory_space<vmem>>, vector<128x64xf32>
      %dot_general3A_482 = arith.constant dense<0.000000e+00> : vector<256x64xf32>
      %dot_general3A_483 = tpu.matmul %sub3A_335, %get3A_481, %dot_general3A_482 {dimension_numbers = #tpu.dot_dimension_numbers<[1], [0], [0], [1], [0, 0, 1, 1], [], []>, transpose_lhs_hint = false} : vector<256x128xf32>, vector<128x64xf32>, vector<256x64xf32> -> vector<256x64xf32>
      %get3A_484 = arith.constant 0 : index
      %get3A_485 = arith.constant 0 : index
      %get3A_486 = vector.load %arg19[%get3A_484, %get3A_485] : memref<1x64xf32, #tpu.memory_space<vmem>>, vector<1x64xf32>
      %add3A_487 = vector.broadcast %get3A_486 : vector<1x64xf32> to vector<256x64xf32>
      %add3A_488 = arith.addf %dot_general3A_483, %add3A_487 : vector<256x64xf32>
      %get3A_489 = arith.constant 0 : index
      %get3A_490 = arith.constant 0 : index
      %get3A_491 = vector.load %arg20[%get3A_489, %get3A_490] : memref<1x64xf32, #tpu.memory_space<vmem>>, vector<1x64xf32>
      %get3A_492 = arith.constant 0 : index
      %get3A_493 = arith.constant 0 : index
      %get3A_494 = vector.load %arg21[%get3A_492, %get3A_493] : memref<1x64xf32, #tpu.memory_space<vmem>>, vector<1x64xf32>
      %reduce_sum3A_495 = arith.constant dense<0.000000e+00> : vector<256xf32>
      %reduce_sum3A_496 = vector.multi_reduction <add>, %add3A_488, %reduce_sum3A_495 [1] : vector<256x64xf32> to vector<256xf32>
      %broadcast_in_dim3A_497 = vector.shape_cast %reduce_sum3A_496 : vector<256xf32> to vector<256x1xf32>
      %div3A_498 = arith.constant 6.400000e+01 : f32
      %div3A_499 = vector.broadcast %div3A_498 : f32 to vector<256x1xf32>
      %div3A_500 = arith.divf %broadcast_in_dim3A_497, %div3A_499 : vector<256x1xf32>
      %jit3A_501 = arith.constant 0 : i32
      %reduce_sum3A_502 = arith.constant dense<0.000000e+00> : vector<256xf32>
      %reduce_sum3A_503 = vector.multi_reduction <add>, %add3A_488, %reduce_sum3A_502 [1] : vector<256x64xf32> to vector<256xf32>
      %broadcast_in_dim3A_504 = vector.shape_cast %reduce_sum3A_503 : vector<256xf32> to vector<256x1xf32>
      %div3A_505 = arith.constant 6.400000e+01 : f32
      %div3A_506 = vector.broadcast %div3A_505 : f32 to vector<256x1xf32>
      %div3A_507 = arith.divf %broadcast_in_dim3A_504, %div3A_506 : vector<256x1xf32>
      %sub3A_508 = vector.broadcast %div3A_507 : vector<256x1xf32> to vector<256x64xf32>
      %sub3A_509 = arith.subf %add3A_488, %sub3A_508 : vector<256x64xf32>
      %square3A_510 = arith.mulf %sub3A_509, %sub3A_509 : vector<256x64xf32>
      %convert_element_type3A_511 = arith.sitofp %jit3A_501 : i32 to f32
      %sub3A_512 = arith.constant 6.400000e+01 : f32
      %sub3A_513 = arith.subf %sub3A_512, %convert_element_type3A_511 : f32
      %reduce_sum3A_514 = arith.constant dense<0.000000e+00> : vector<256xf32>
      %reduce_sum3A_515 = vector.multi_reduction <add>, %square3A_510, %reduce_sum3A_514 [1] : vector<256x64xf32> to vector<256xf32>
      %broadcast_in_dim3A_516 = vector.shape_cast %reduce_sum3A_515 : vector<256xf32> to vector<256x1xf32>
      %div3A_517 = vector.broadcast %sub3A_513 : f32 to vector<256x1xf32>
      %div3A_518 = arith.divf %broadcast_in_dim3A_516, %div3A_517 : vector<256x1xf32>
      %gt3A_519 = arith.constant 0.000000e+00 : f32
      %gt3A_520 = arith.cmpf ogt, %sub3A_513, %gt3A_519 : f32
      %jit3A_521 = arith.constant 0x7FC00000 : f32
      %broadcast_in_dim3A_522 = vector.broadcast %jit3A_521 : f32 to vector<256x1xf32>
      %select_n3A_523 = arith.select %gt3A_520, %div3A_518, %broadcast_in_dim3A_522 : vector<256x1xf32>
      %sub3A_524 = vector.broadcast %div3A_500 : vector<256x1xf32> to vector<256x64xf32>
      %sub3A_525 = arith.subf %add3A_488, %sub3A_524 : vector<256x64xf32>
      %add3A_526 = arith.constant 9.99999974E-6 : f32
      %add3A_527 = vector.broadcast %add3A_526 : f32 to vector<256x1xf32>
      %add3A_528 = arith.addf %select_n3A_523, %add3A_527 : vector<256x1xf32>
      %sqrt3A_529 = math.sqrt %add3A_528 : vector<256x1xf32>
      %div3A_530 = vector.broadcast %sqrt3A_529 : vector<256x1xf32> to vector<256x64xf32>
      %div3A_531 = arith.divf %sub3A_525, %div3A_530 : vector<256x64xf32>
      %mul3A_532 = vector.broadcast %get3A_491 : vector<1x64xf32> to vector<256x64xf32>
      %mul3A_533 = arith.mulf %div3A_531, %mul3A_532 : vector<256x64xf32>
      %add3A_534 = vector.broadcast %get3A_494 : vector<1x64xf32> to vector<256x64xf32>
      %add3A_535 = arith.addf %mul3A_533, %add3A_534 : vector<256x64xf32>
      %max3A_536 = arith.constant 0.000000e+00 : f32
      %max3A_537 = vector.broadcast %max3A_536 : f32 to vector<256x64xf32>
      %max3A_538 = arith.maximumf %add3A_535, %max3A_537 : vector<256x64xf32>
      %get3A_539 = arith.constant 0 : index
      %get3A_540 = arith.constant 0 : index
      %get3A_541 = vector.load %arg22[%get3A_539, %get3A_540] : memref<64x256xf32, #tpu.memory_space<vmem>>, vector<64x256xf32>
      %dot_general3A_542 = arith.constant dense<0.000000e+00> : vector<256x256xf32>
      %dot_general3A_543 = tpu.matmul %max3A_538, %get3A_541, %dot_general3A_542 {dimension_numbers = #tpu.dot_dimension_numbers<[1], [0], [0], [1], [0, 0, 1, 1], [], []>, transpose_lhs_hint = false} : vector<256x64xf32>, vector<64x256xf32>, vector<256x256xf32> -> vector<256x256xf32>
      %get3A_544 = arith.constant 0 : index
      %get3A_545 = arith.constant 0 : index
      %get3A_546 = vector.load %arg23[%get3A_544, %get3A_545] : memref<128x256xf32, #tpu.memory_space<vmem>>, vector<128x256xf32>
      %dot_general3A_547 = arith.constant dense<0.000000e+00> : vector<256x256xf32>
      %dot_general3A_548 = tpu.matmul %get3A_412, %get3A_546, %dot_general3A_547 {dimension_numbers = #tpu.dot_dimension_numbers<[1], [0], [0], [1], [0, 0, 1, 1], [], []>, transpose_lhs_hint = false} : vector<256x128xf32>, vector<128x256xf32>, vector<256x256xf32> -> vector<256x256xf32>
      %add3A_549 = arith.addf %dot_general3A_543, %dot_general3A_548 : vector<256x256xf32>
      %get3A_550 = arith.constant 0 : index
      %get3A_551 = arith.constant 0 : index
      %get3A_552 = vector.load %arg24[%get3A_550, %get3A_551] : memref<1x256xf32, #tpu.memory_space<vmem>>, vector<1x256xf32>
      %add3A_553 = vector.broadcast %get3A_552 : vector<1x256xf32> to vector<256x256xf32>
      %add3A_554 = arith.addf %add3A_549, %add3A_553 : vector<256x256xf32>
      %get3A_555 = arith.constant 0 : index
      %get3A_556 = arith.constant 0 : index
      %get3A_557 = vector.load %arg25[%get3A_555, %get3A_556] : memref<1x256xf32, #tpu.memory_space<vmem>>, vector<1x256xf32>
      %get3A_558 = arith.constant 0 : index
      %get3A_559 = arith.constant 0 : index
      %get3A_560 = vector.load %arg26[%get3A_558, %get3A_559] : memref<1x256xf32, #tpu.memory_space<vmem>>, vector<1x256xf32>
      %reduce_sum3A_561 = arith.constant dense<0.000000e+00> : vector<256xf32>
      %reduce_sum3A_562 = vector.multi_reduction <add>, %add3A_554, %reduce_sum3A_561 [1] : vector<256x256xf32> to vector<256xf32>
      %broadcast_in_dim3A_563 = vector.shape_cast %reduce_sum3A_562 : vector<256xf32> to vector<256x1xf32>
      %div3A_564 = arith.constant 2.560000e+02 : f32
      %div3A_565 = vector.broadcast %div3A_564 : f32 to vector<256x1xf32>
      %div3A_566 = arith.divf %broadcast_in_dim3A_563, %div3A_565 : vector<256x1xf32>
      %jit3A_567 = arith.constant 0 : i32
      %reduce_sum3A_568 = arith.constant dense<0.000000e+00> : vector<256xf32>
      %reduce_sum3A_569 = vector.multi_reduction <add>, %add3A_554, %reduce_sum3A_568 [1] : vector<256x256xf32> to vector<256xf32>
      %broadcast_in_dim3A_570 = vector.shape_cast %reduce_sum3A_569 : vector<256xf32> to vector<256x1xf32>
      %div3A_571 = arith.constant 2.560000e+02 : f32
      %div3A_572 = vector.broadcast %div3A_571 : f32 to vector<256x1xf32>
      %div3A_573 = arith.divf %broadcast_in_dim3A_570, %div3A_572 : vector<256x1xf32>
      %sub3A_574 = vector.broadcast %div3A_573 : vector<256x1xf32> to vector<256x256xf32>
      %sub3A_575 = arith.subf %add3A_554, %sub3A_574 : vector<256x256xf32>
      %square3A_576 = arith.mulf %sub3A_575, %sub3A_575 : vector<256x256xf32>
      %convert_element_type3A_577 = arith.sitofp %jit3A_567 : i32 to f32
      %sub3A_578 = arith.constant 2.560000e+02 : f32
      %sub3A_579 = arith.subf %sub3A_578, %convert_element_type3A_577 : f32
      %reduce_sum3A_580 = arith.constant dense<0.000000e+00> : vector<256xf32>
      %reduce_sum3A_581 = vector.multi_reduction <add>, %square3A_576, %reduce_sum3A_580 [1] : vector<256x256xf32> to vector<256xf32>
      %broadcast_in_dim3A_582 = vector.shape_cast %reduce_sum3A_581 : vector<256xf32> to vector<256x1xf32>
      %div3A_583 = vector.broadcast %sub3A_579 : f32 to vector<256x1xf32>
      %div3A_584 = arith.divf %broadcast_in_dim3A_582, %div3A_583 : vector<256x1xf32>
      %gt3A_585 = arith.constant 0.000000e+00 : f32
      %gt3A_586 = arith.cmpf ogt, %sub3A_579, %gt3A_585 : f32
      %jit3A_587 = arith.constant 0x7FC00000 : f32
      %broadcast_in_dim3A_588 = vector.broadcast %jit3A_587 : f32 to vector<256x1xf32>
      %select_n3A_589 = arith.select %gt3A_586, %div3A_584, %broadcast_in_dim3A_588 : vector<256x1xf32>
      %sub3A_590 = vector.broadcast %div3A_566 : vector<256x1xf32> to vector<256x256xf32>
      %sub3A_591 = arith.subf %add3A_554, %sub3A_590 : vector<256x256xf32>
      %add3A_592 = arith.constant 9.99999974E-6 : f32
      %add3A_593 = vector.broadcast %add3A_592 : f32 to vector<256x1xf32>
      %add3A_594 = arith.addf %select_n3A_589, %add3A_593 : vector<256x1xf32>
      %sqrt3A_595 = math.sqrt %add3A_594 : vector<256x1xf32>
      %div3A_596 = vector.broadcast %sqrt3A_595 : vector<256x1xf32> to vector<256x256xf32>
      %div3A_597 = arith.divf %sub3A_591, %div3A_596 : vector<256x256xf32>
      %mul3A_598 = vector.broadcast %get3A_557 : vector<1x256xf32> to vector<256x256xf32>
      %mul3A_599 = arith.mulf %div3A_597, %mul3A_598 : vector<256x256xf32>
      %add3A_600 = vector.broadcast %get3A_560 : vector<1x256xf32> to vector<256x256xf32>
      %add3A_601 = arith.addf %mul3A_599, %add3A_600 : vector<256x256xf32>
      %max3A_602 = arith.constant 0.000000e+00 : f32
      %max3A_603 = vector.broadcast %max3A_602 : f32 to vector<256x256xf32>
      %max3A_604 = arith.maximumf %add3A_601, %max3A_603 : vector<256x256xf32>
      %swap3A_605 = arith.index_cast %mul3A_318 : i32 to index
      %swap3A_606 = arith.constant 0 : index
      %swap3A_607 = vector.load %arg35[%swap3A_605, %swap3A_606] : memref<4096x256xf32, #tpu.memory_space<vmem>>, vector<256x256xf32>
      tpu.vector_store %arg35[%swap3A_605, %swap3A_606], %max3A_478 {strides = array<i32>} : memref<4096x256xf32, #tpu.memory_space<vmem>>, vector<256x256xf32>,
      %get3A_608 = arith.constant 0 : index
      %get3A_609 = arith.constant 0 : index
      %get3A_610 = vector.load %arg27[%get3A_608, %get3A_609] : memref<256x256xf32, #tpu.memory_space<vmem>>, vector<256x256xf32>
      %dot_general3A_611 = arith.constant dense<0.000000e+00> : vector<256x256xf32>
      %dot_general3A_612 = tpu.matmul %max3A_604, %get3A_610, %dot_general3A_611 {dimension_numbers = #tpu.dot_dimension_numbers<[1], [0], [0], [1], [0, 0, 1, 1], [], []>, transpose_lhs_hint = false} : vector<256x256xf32>, vector<256x256xf32>, vector<256x256xf32> -> vector<256x256xf32>
      %mul3A_613 = arith.constant 6.250000e-02 : f32
      %mul3A_614 = vector.broadcast %mul3A_613 : f32 to vector<256x256xf32>
      %mul3A_615 = arith.mulf %dot_general3A_612, %mul3A_614 : vector<256x256xf32>
      %swap3A_616 = arith.index_cast %mul3A_318 : i32 to index
      %swap3A_617 = arith.constant 0 : index
      %swap3A_618 = vector.load %arg36[%swap3A_616, %swap3A_617] : memref<4096x256xf32, #tpu.memory_space<vmem>>, vector<256x256xf32>
      tpu.vector_store %arg36[%swap3A_616, %swap3A_617], %mul3A_615 {strides = array<i32>} : memref<4096x256xf32, #tpu.memory_space<vmem>>, vector<256x256xf32>,
      %get3A_619 = arith.constant 0 : index
      %get3A_620 = arith.constant 0 : index
      %get3A_621 = vector.load %arg28[%get3A_619, %get3A_620] : memref<256x256xf32, #tpu.memory_space<vmem>>, vector<256x256xf32>
      %dot_general3A_622 = arith.constant dense<0.000000e+00> : vector<256x256xf32>
      %dot_general3A_623 = tpu.matmul %max3A_604, %get3A_621, %dot_general3A_622 {dimension_numbers = #tpu.dot_dimension_numbers<[1], [0], [0], [1], [0, 0, 1, 1], [], []>, transpose_lhs_hint = false} : vector<256x256xf32>, vector<256x256xf32>, vector<256x256xf32> -> vector<256x256xf32>
      %swap3A_624 = arith.index_cast %mul3A_318 : i32 to index
      %swap3A_625 = arith.constant 0 : index
      %swap3A_626 = vector.load %arg37[%swap3A_624, %swap3A_625] : memref<4096x256xf32, #tpu.memory_space<vmem>>, vector<256x256xf32>
      tpu.vector_store %arg37[%swap3A_624, %swap3A_625], %dot_general3A_623 {strides = array<i32>} : memref<4096x256xf32, #tpu.memory_space<vmem>>, vector<256x256xf32>,
      %get3A_627 = arith.constant 0 : index
      %get3A_628 = arith.constant 0 : index
      %get3A_629 = vector.load %arg29[%get3A_627, %get3A_628] : memref<256x256xf32, #tpu.memory_space<vmem>>, vector<256x256xf32>
      %dot_general3A_630 = arith.constant dense<0.000000e+00> : vector<256x256xf32>
      %dot_general3A_631 = tpu.matmul %max3A_478, %get3A_629, %dot_general3A_630 {dimension_numbers = #tpu.dot_dimension_numbers<[1], [0], [0], [1], [0, 0, 1, 1], [], []>, transpose_lhs_hint = false} : vector<256x256xf32>, vector<256x256xf32>, vector<256x256xf32> -> vector<256x256xf32>
      %swap3A_632 = arith.index_cast %mul3A_318 : i32 to index
      %swap3A_633 = arith.constant 0 : index
      %swap3A_634 = vector.load %arg38[%swap3A_632, %swap3A_633] : memref<4096x256xf32, #tpu.memory_space<vmem>>, vector<256x256xf32>
      tpu.vector_store %arg38[%swap3A_632, %swap3A_633], %dot_general3A_631 {strides = array<i32>} : memref<4096x256xf32, #tpu.memory_space<vmem>>, vector<256x256xf32>,
    }
    %scan3A_3 = arith.constant 8 : i32
    %scan3A_4 = arith.constant 0 : i32
    %scan3A_5 = arith.constant 16 : i32
    %scan3A_6 = arith.addi %scan3A_4, %scan3A_5 : i32
    %scan3A_7 = arith.constant 1 : i32
    scf.for %scan3A_9 = %scan3A_4 to %scan3A_6 step %scan3A_7  : i32 {
      %mul3A = arith.constant 256 : i32
      %mul3A_10 = arith.muli %scan3A_9, %mul3A : i32
      %get3A = arith.constant 0 : index
      %get3A_11 = arith.index_cast %mul3A_10 : i32 to index
      %get3A_12 = arith.constant 0 : index
      %get3A_13 = vector.load %arg5[%get3A, %get3A_11, %get3A_12] : memref<1x4096x1xi32, #tpu.memory_space<vmem>>, vector<1x256x1xi32>
      %get3A_14 = vector.shape_cast %get3A_13 : vector<1x256x1xi32> to vector<256x1xi32>
      %get3A_15 = arith.index_cast %mul3A_10 : i32 to index
      %get3A_16 = arith.constant 0 : index
      %get3A_17 = vector.load %arg36[%get3A_15, %get3A_16] : memref<4096x256xf32, #tpu.memory_space<vmem>>, vector<256x256xf32>
      %get3A_18 = arith.index_cast %arg0 : i32 to index
      %get3A_19 = arith.index_cast %scan3A_9 : i32 to index
      %get3A_20 = memref.load %arg6[%get3A_18, %get3A_19] : memref<2x16xi32, #tpu.memory_space<smem>>
      %min3A = arith.constant 14 : i32
      %min3A_21 = arith.minsi %get3A_20, %min3A : i32
      %mul3A_22 = arith.constant 256 : i32
      %mul3A_23 = arith.muli %min3A_21, %mul3A_22 : i32
      %multiple_of3A = tpu.assume_multiple %mul3A_23, 256 : i32
      %get3A_24 = arith.index_cast %multiple_of3A : i32 to index
      %get3A_25 = arith.constant 0 : index
      %get3A_26 = vector.load %arg37[%get3A_24, %get3A_25] : memref<4096x256xf32, #tpu.memory_space<vmem>>, vector<512x256xf32>
      %dot_general3A = arith.constant dense<0.000000e+00> : vector<256x512xf32>
      %dot_general3A_27 = tpu.matmul %get3A_17, %get3A_26, %dot_general3A {dimension_numbers = #tpu.dot_dimension_numbers<[1], [1], [0], [0], [0, 0, 1, 0], [], []>, transpose_lhs_hint = false} : vector<256x256xf32>, vector<512x256xf32>, vector<256x512xf32> -> vector<256x512xf32>
      %get3A_28 = arith.constant 0 : index
      %get3A_29 = arith.constant 0 : index
      %get3A_30 = arith.index_cast %multiple_of3A : i32 to index
      %get3A_31 = vector.load %arg4[%get3A_28, %get3A_29, %get3A_30] : memref<1x1x4096xi32, #tpu.memory_space<vmem>>, vector<1x1x512xi32>
      %get3A_32 = vector.shape_cast %get3A_31 : vector<1x1x512xi32> to vector<1x512xi32>
      %eq3A = vector.broadcast %get3A_14 : vector<256x1xi32> to vector<256x512xi32>
      %eq3A_33 = vector.broadcast %get3A_32 : vector<1x512xi32> to vector<256x512xi32>
      %eq3A_34 = arith.cmpi eq, %eq3A, %eq3A_33 : vector<256x512xi32>
      %jit3A = arith.constant -1.000000e+30 : f32
      %broadcast_in_dim3A = vector.broadcast %jit3A : f32 to vector<256x512xf32>
      %select_n3A = arith.select %eq3A_34, %dot_general3A_27, %broadcast_in_dim3A : vector<256x512xi1>, vector<256x512xf32>
      %reduce_max3A = arith.constant dense<0xFF800000> : vector<256xf32>
      %reduce_max3A_35 = vector.multi_reduction <maximumf>, %select_n3A, %reduce_max3A [1] : vector<256x512xf32> to vector<256xf32>
      %broadcast_in_dim3A_36 = vector.shape_cast %reduce_max3A_35 : vector<256xf32> to vector<256x1xf32>
      %max3A = arith.constant -1.000000e+20 : f32
      %max3A_37 = vector.broadcast %max3A : f32 to vector<256x1xf32>
      %max3A_38 = arith.maximumf %broadcast_in_dim3A_36, %max3A_37 : vector<256x1xf32>
      %sub3A = vector.broadcast %max3A_38 : vector<256x1xf32> to vector<256x512xf32>
      %sub3A_39 = arith.subf %select_n3A, %sub3A : vector<256x512xf32>
      %exp3A = math.exp %sub3A_39 : vector<256x512xf32>
      %swap3A = arith.constant 0 : index
      %swap3A_40 = arith.constant 0 : index
      %swap3A_41 = vector.load %arg40[%swap3A, %swap3A_40] : memref<256x1xf32, #tpu.memory_space<vmem>>, vector<256x1xf32>
      tpu.vector_store %arg40[%swap3A, %swap3A_40], %max3A_38 {strides = array<i32>} : memref<256x1xf32, #tpu.memory_space<vmem>>, vector<256x1xf32>,
      %reduce_sum3A = arith.constant dense<0.000000e+00> : vector<256xf32>
      %reduce_sum3A_42 = vector.multi_reduction <add>, %exp3A, %reduce_sum3A [1] : vector<256x512xf32> to vector<256xf32>
      %broadcast_in_dim3A_43 = vector.shape_cast %reduce_sum3A_42 : vector<256xf32> to vector<256x1xf32>
      %swap3A_44 = arith.constant 0 : index
      %swap3A_45 = arith.constant 0 : index
      %swap3A_46 = vector.load %arg41[%swap3A_44, %swap3A_45] : memref<256x1xf32, #tpu.memory_space<vmem>>, vector<256x1xf32>
      tpu.vector_store %arg41[%swap3A_44, %swap3A_45], %broadcast_in_dim3A_43 {strides = array<i32>} : memref<256x1xf32, #tpu.memory_space<vmem>>, vector<256x1xf32>,
      %get3A_47 = arith.index_cast %multiple_of3A : i32 to index
      %get3A_48 = arith.constant 0 : index
      %get3A_49 = vector.load %arg38[%get3A_47, %get3A_48] : memref<4096x256xf32, #tpu.memory_space<vmem>>, vector<512x256xf32>
      %dot_general3A_50 = arith.constant dense<0.000000e+00> : vector<256x256xf32>
      %dot_general3A_51 = tpu.matmul %exp3A, %get3A_49, %dot_general3A_50 {dimension_numbers = #tpu.dot_dimension_numbers<[1], [0], [0], [1], [0, 0, 1, 1], [], []>, transpose_lhs_hint = false} : vector<256x512xf32>, vector<512x256xf32>, vector<256x256xf32> -> vector<256x256xf32>
      %swap3A_52 = arith.constant 0 : index
      %swap3A_53 = arith.constant 0 : index
      %swap3A_54 = vector.load %arg39[%swap3A_52, %swap3A_53] : memref<256x256xf32, #tpu.memory_space<vmem>>, vector<256x256xf32>
      tpu.vector_store %arg39[%swap3A_52, %swap3A_53], %dot_general3A_51 {strides = array<i32>} : memref<256x256xf32, #tpu.memory_space<vmem>>, vector<256x256xf32>,
      %get3A_55 = arith.index_cast %arg0 : i32 to index
      %get3A_56 = arith.index_cast %scan3A_9 : i32 to index
      %get3A_57 = memref.load %arg6[%get3A_55, %get3A_56] : memref<2x16xi32, #tpu.memory_space<smem>>
      %add3A = arith.constant 2 : i32
      %add3A_58 = arith.addi %get3A_57, %add3A : i32
      %get3A_59 = arith.index_cast %arg0 : i32 to index
      %get3A_60 = arith.index_cast %scan3A_9 : i32 to index
      %get3A_61 = memref.load %arg7[%get3A_59, %get3A_60] : memref<2x16xi32, #tpu.memory_space<smem>>
      %add3A_62 = arith.constant 1 : i32
      %add3A_63 = arith.addi %get3A_61, %add3A_62 : i32
      %while3A = arith.constant 0 : i32
      %while3A_64 = arith.subi %add3A_63, %add3A_58 : i32
      %while3A_65 = arith.addi %add3A_58, %while3A_64 : i32
      %while3A_66 = arith.constant 1 : i32
      %while3A_67 = arith.divsi %while3A_64, %while3A_66 : i32
      %while3A_68 = arith.muli %while3A_67, %while3A_66 : i32
      %while3A_69 = arith.addi %add3A_58, %while3A_68 : i32
      %while3A_70 = arith.constant 1 : i32
      %while3A_71 = scf.for %while3A_144 = %add3A_58 to %while3A_69 step %while3A_70 iter_args(%while3A_145 = %while3A) -> (i32)  : i32 {
        %mul3A_146 = arith.constant 256 : i32
        %mul3A_147 = arith.muli %while3A_144, %mul3A_146 : i32
        %multiple_of3A_148 = tpu.assume_multiple %mul3A_147, 256 : i32
        %get3A_149 = arith.index_cast %multiple_of3A_148 : i32 to index
        %get3A_150 = arith.constant 0 : index
        %get3A_151 = vector.load %arg37[%get3A_149, %get3A_150] : memref<4096x256xf32, #tpu.memory_space<vmem>>, vector<256x256xf32>
        %dot_general3A_152 = arith.constant dense<0.000000e+00> : vector<256x256xf32>
        %dot_general3A_153 = tpu.matmul %get3A_17, %get3A_151, %dot_general3A_152 {dimension_numbers = #tpu.dot_dimension_numbers<[1], [1], [0], [0], [0, 0, 1, 0], [], []>, transpose_lhs_hint = false} : vector<256x256xf32>, vector<256x256xf32>, vector<256x256xf32> -> vector<256x256xf32>
        %get3A_154 = arith.constant 0 : index
        %get3A_155 = arith.constant 0 : index
        %get3A_156 = arith.index_cast %multiple_of3A_148 : i32 to index
        %get3A_157 = vector.load %arg4[%get3A_154, %get3A_155, %get3A_156] : memref<1x1x4096xi32, #tpu.memory_space<vmem>>, vector<1x1x256xi32>
        %get3A_158 = vector.shape_cast %get3A_157 : vector<1x1x256xi32> to vector<1x256xi32>
        %eq3A_159 = vector.broadcast %get3A_14 : vector<256x1xi32> to vector<256x256xi32>
        %eq3A_160 = vector.broadcast %get3A_158 : vector<1x256xi32> to vector<256x256xi32>
        %eq3A_161 = arith.cmpi eq, %eq3A_159, %eq3A_160 : vector<256x256xi32>
        %jit3A_162 = arith.constant -1.000000e+30 : f32
        %broadcast_in_dim3A_163 = vector.broadcast %jit3A_162 : f32 to vector<256x256xf32>
        %select_n3A_164 = arith.select %eq3A_161, %dot_general3A_153, %broadcast_in_dim3A_163 : vector<256x256xi1>, vector<256x256xf32>
        %get3A_165 = arith.constant 0 : index
        %get3A_166 = arith.constant 0 : index
        %get3A_167 = vector.load %arg40[%get3A_165, %get3A_166] : memref<256x1xf32, #tpu.memory_space<vmem>>, vector<256x1xf32>
        %reduce_max3A_168 = arith.constant dense<0xFF800000> : vector<256xf32>
        %reduce_max3A_169 = vector.multi_reduction <maximumf>, %select_n3A_164, %reduce_max3A_168 [1] : vector<256x256xf32> to vector<256xf32>
        %broadcast_in_dim3A_170 = vector.shape_cast %reduce_max3A_169 : vector<256xf32> to vector<256x1xf32>
        %max3A_171 = arith.maximumf %get3A_167, %broadcast_in_dim3A_170 : vector<256x1xf32>
        %sub3A_172 = vector.broadcast %max3A_171 : vector<256x1xf32> to vector<256x256xf32>
        %sub3A_173 = arith.subf %select_n3A_164, %sub3A_172 : vector<256x256xf32>
        %exp3A_174 = math.exp %sub3A_173 : vector<256x256xf32>
        %sub3A_175 = arith.subf %get3A_167, %max3A_171 : vector<256x1xf32>
        %exp3A_176 = math.exp %sub3A_175 : vector<256x1xf32>
        %get3A_177 = arith.constant 0 : index
        %get3A_178 = arith.constant 0 : index
        %get3A_179 = vector.load %arg41[%get3A_177, %get3A_178] : memref<256x1xf32, #tpu.memory_space<vmem>>, vector<256x1xf32>
        %mul3A_180 = arith.mulf %get3A_179, %exp3A_176 : vector<256x1xf32>
        %reduce_sum3A_181 = arith.constant dense<0.000000e+00> : vector<256xf32>
        %reduce_sum3A_182 = vector.multi_reduction <add>, %exp3A_174, %reduce_sum3A_181 [1] : vector<256x256xf32> to vector<256xf32>
        %broadcast_in_dim3A_183 = vector.shape_cast %reduce_sum3A_182 : vector<256xf32> to vector<256x1xf32>
        %add3A_184 = arith.addf %mul3A_180, %broadcast_in_dim3A_183 : vector<256x1xf32>
        %swap3A_185 = arith.constant 0 : index
        %swap3A_186 = arith.constant 0 : index
        %swap3A_187 = vector.load %arg41[%swap3A_185, %swap3A_186] : memref<256x1xf32, #tpu.memory_space<vmem>>, vector<256x1xf32>
        tpu.vector_store %arg41[%swap3A_185, %swap3A_186], %add3A_184 {strides = array<i32>} : memref<256x1xf32, #tpu.memory_space<vmem>>, vector<256x1xf32>,
        %get3A_188 = arith.constant 0 : index
        %get3A_189 = arith.constant 0 : index
        %get3A_190 = vector.load %arg39[%get3A_188, %get3A_189] : memref<256x256xf32, #tpu.memory_space<vmem>>, vector<256x256xf32>
        %mul3A_191 = vector.broadcast %exp3A_176 : vector<256x1xf32> to vector<256x256xf32>
        %mul3A_192 = arith.mulf %get3A_190, %mul3A_191 : vector<256x256xf32>
        %get3A_193 = arith.index_cast %multiple_of3A_148 : i32 to index
        %get3A_194 = arith.constant 0 : index
        %get3A_195 = vector.load %arg38[%get3A_193, %get3A_194] : memref<4096x256xf32, #tpu.memory_space<vmem>>, vector<256x256xf32>
        %dot_general3A_196 = arith.constant dense<0.000000e+00> : vector<256x256xf32>
        %dot_general3A_197 = tpu.matmul %exp3A_174, %get3A_195, %dot_general3A_196 {dimension_numbers = #tpu.dot_dimension_numbers<[1], [0], [0], [1], [0, 0, 1, 1], [], []>, transpose_lhs_hint = false} : vector<256x256xf32>, vector<256x256xf32>, vector<256x256xf32> -> vector<256x256xf32>
        %add3A_198 = arith.addf %mul3A_192, %dot_general3A_197 : vector<256x256xf32>
        %swap3A_199 = arith.constant 0 : index
        %swap3A_200 = arith.constant 0 : index
        %swap3A_201 = vector.load %arg39[%swap3A_199, %swap3A_200] : memref<256x256xf32, #tpu.memory_space<vmem>>, vector<256x256xf32>
        tpu.vector_store %arg39[%swap3A_199, %swap3A_200], %add3A_198 {strides = array<i32>} : memref<256x256xf32, #tpu.memory_space<vmem>>, vector<256x256xf32>,
        %swap3A_202 = arith.constant 0 : index
        %swap3A_203 = arith.constant 0 : index
        %swap3A_204 = vector.load %arg40[%swap3A_202, %swap3A_203] : memref<256x1xf32, #tpu.memory_space<vmem>>, vector<256x1xf32>
        tpu.vector_store %arg40[%swap3A_202, %swap3A_203], %max3A_171 {strides = array<i32>} : memref<256x1xf32, #tpu.memory_space<vmem>>, vector<256x1xf32>,
        %while3A_205 = arith.constant 0 : i32
        scf.yield %while3A_205 : i32
      }
      %while3A_72 = arith.constant 1 : i32
      %while3A_73 = scf.for %while3A_144 = %while3A_69 to %while3A_65 step %while3A_72 iter_args(%while3A_145 = %while3A_71) -> (i32)  : i32 {
        %mul3A_146 = arith.constant 256 : i32
        %mul3A_147 = arith.muli %while3A_144, %mul3A_146 : i32
        %multiple_of3A_148 = tpu.assume_multiple %mul3A_147, 256 : i32
        %get3A_149 = arith.index_cast %multiple_of3A_148 : i32 to index
        %get3A_150 = arith.constant 0 : index
        %get3A_151 = vector.load %arg37[%get3A_149, %get3A_150] : memref<4096x256xf32, #tpu.memory_space<vmem>>, vector<256x256xf32>
        %dot_general3A_152 = arith.constant dense<0.000000e+00> : vector<256x256xf32>
        %dot_general3A_153 = tpu.matmul %get3A_17, %get3A_151, %dot_general3A_152 {dimension_numbers = #tpu.dot_dimension_numbers<[1], [1], [0], [0], [0, 0, 1, 0], [], []>, transpose_lhs_hint = false} : vector<256x256xf32>, vector<256x256xf32>, vector<256x256xf32> -> vector<256x256xf32>
        %get3A_154 = arith.constant 0 : index
        %get3A_155 = arith.constant 0 : index
        %get3A_156 = arith.index_cast %multiple_of3A_148 : i32 to index
        %get3A_157 = vector.load %arg4[%get3A_154, %get3A_155, %get3A_156] : memref<1x1x4096xi32, #tpu.memory_space<vmem>>, vector<1x1x256xi32>
        %get3A_158 = vector.shape_cast %get3A_157 : vector<1x1x256xi32> to vector<1x256xi32>
        %eq3A_159 = vector.broadcast %get3A_14 : vector<256x1xi32> to vector<256x256xi32>
        %eq3A_160 = vector.broadcast %get3A_158 : vector<1x256xi32> to vector<256x256xi32>
        %eq3A_161 = arith.cmpi eq, %eq3A_159, %eq3A_160 : vector<256x256xi32>
        %jit3A_162 = arith.constant -1.000000e+30 : f32
        %broadcast_in_dim3A_163 = vector.broadcast %jit3A_162 : f32 to vector<256x256xf32>
        %select_n3A_164 = arith.select %eq3A_161, %dot_general3A_153, %broadcast_in_dim3A_163 : vector<256x256xi1>, vector<256x256xf32>
        %get3A_165 = arith.constant 0 : index
        %get3A_166 = arith.constant 0 : index
        %get3A_167 = vector.load %arg40[%get3A_165, %get3A_166] : memref<256x1xf32, #tpu.memory_space<vmem>>, vector<256x1xf32>
        %reduce_max3A_168 = arith.constant dense<0xFF800000> : vector<256xf32>
        %reduce_max3A_169 = vector.multi_reduction <maximumf>, %select_n3A_164, %reduce_max3A_168 [1] : vector<256x256xf32> to vector<256xf32>
        %broadcast_in_dim3A_170 = vector.shape_cast %reduce_max3A_169 : vector<256xf32> to vector<256x1xf32>
        %max3A_171 = arith.maximumf %get3A_167, %broadcast_in_dim3A_170 : vector<256x1xf32>
        %sub3A_172 = vector.broadcast %max3A_171 : vector<256x1xf32> to vector<256x256xf32>
        %sub3A_173 = arith.subf %select_n3A_164, %sub3A_172 : vector<256x256xf32>
        %exp3A_174 = math.exp %sub3A_173 : vector<256x256xf32>
        %sub3A_175 = arith.subf %get3A_167, %max3A_171 : vector<256x1xf32>
        %exp3A_176 = math.exp %sub3A_175 : vector<256x1xf32>
        %get3A_177 = arith.constant 0 : index
        %get3A_178 = arith.constant 0 : index
        %get3A_179 = vector.load %arg41[%get3A_177, %get3A_178] : memref<256x1xf32, #tpu.memory_space<vmem>>, vector<256x1xf32>
        %mul3A_180 = arith.mulf %get3A_179, %exp3A_176 : vector<256x1xf32>
        %reduce_sum3A_181 = arith.constant dense<0.000000e+00> : vector<256xf32>
        %reduce_sum3A_182 = vector.multi_reduction <add>, %exp3A_174, %reduce_sum3A_181 [1] : vector<256x256xf32> to vector<256xf32>
        %broadcast_in_dim3A_183 = vector.shape_cast %reduce_sum3A_182 : vector<256xf32> to vector<256x1xf32>
        %add3A_184 = arith.addf %mul3A_180, %broadcast_in_dim3A_183 : vector<256x1xf32>
        %swap3A_185 = arith.constant 0 : index
        %swap3A_186 = arith.constant 0 : index
        %swap3A_187 = vector.load %arg41[%swap3A_185, %swap3A_186] : memref<256x1xf32, #tpu.memory_space<vmem>>, vector<256x1xf32>
        tpu.vector_store %arg41[%swap3A_185, %swap3A_186], %add3A_184 {strides = array<i32>} : memref<256x1xf32, #tpu.memory_space<vmem>>, vector<256x1xf32>,
        %get3A_188 = arith.constant 0 : index
        %get3A_189 = arith.constant 0 : index
        %get3A_190 = vector.load %arg39[%get3A_188, %get3A_189] : memref<256x256xf32, #tpu.memory_space<vmem>>, vector<256x256xf32>
        %mul3A_191 = vector.broadcast %exp3A_176 : vector<256x1xf32> to vector<256x256xf32>
        %mul3A_192 = arith.mulf %get3A_190, %mul3A_191 : vector<256x256xf32>
        %get3A_193 = arith.index_cast %multiple_of3A_148 : i32 to index
        %get3A_194 = arith.constant 0 : index
        %get3A_195 = vector.load %arg38[%get3A_193, %get3A_194] : memref<4096x256xf32, #tpu.memory_space<vmem>>, vector<256x256xf32>
        %dot_general3A_196 = arith.constant dense<0.000000e+00> : vector<256x256xf32>
        %dot_general3A_197 = tpu.matmul %exp3A_174, %get3A_195, %dot_general3A_196 {dimension_numbers = #tpu.dot_dimension_numbers<[1], [0], [0], [1], [0, 0, 1, 1], [], []>, transpose_lhs_hint = false} : vector<256x256xf32>, vector<256x256xf32>, vector<256x256xf32> -> vector<256x256xf32>
        %add3A_198 = arith.addf %mul3A_192, %dot_general3A_197 : vector<256x256xf32>
        %swap3A_199 = arith.constant 0 : index
        %swap3A_200 = arith.constant 0 : index
        %swap3A_201 = vector.load %arg39[%swap3A_199, %swap3A_200] : memref<256x256xf32, #tpu.memory_space<vmem>>, vector<256x256xf32>
        tpu.vector_store %arg39[%swap3A_199, %swap3A_200], %add3A_198 {strides = array<i32>} : memref<256x256xf32, #tpu.memory_space<vmem>>, vector<256x256xf32>,
        %swap3A_202 = arith.constant 0 : index
        %swap3A_203 = arith.constant 0 : index
        %swap3A_204 = vector.load %arg40[%swap3A_202, %swap3A_203] : memref<256x1xf32, #tpu.memory_space<vmem>>, vector<256x1xf32>
        tpu.vector_store %arg40[%swap3A_202, %swap3A_203], %max3A_171 {strides = array<i32>} : memref<256x1xf32, #tpu.memory_space<vmem>>, vector<256x1xf32>,
        %while3A_205 = arith.constant 0 : i32
        scf.yield %while3A_205 : i32
      }
      %get3A_74 = arith.constant 0 : index
      %get3A_75 = arith.constant 0 : index
      %get3A_76 = vector.load %arg39[%get3A_74, %get3A_75] : memref<256x256xf32, #tpu.memory_space<vmem>>, vector<256x256xf32>
      %get3A_77 = arith.constant 0 : index
      %get3A_78 = arith.constant 0 : index
      %get3A_79 = vector.load %arg41[%get3A_77, %get3A_78] : memref<256x1xf32, #tpu.memory_space<vmem>>, vector<256x1xf32>
      %div3A = vector.broadcast %get3A_79 : vector<256x1xf32> to vector<256x256xf32>
      %div3A_80 = arith.divf %get3A_76, %div3A : vector<256x256xf32>
      %get3A_81 = arith.constant 0 : index
      %get3A_82 = arith.constant 0 : index
      %get3A_83 = vector.load %arg30[%get3A_81, %get3A_82] : memref<256x256xf32, #tpu.memory_space<vmem>>, vector<256x256xf32>
      %dot_general3A_84 = arith.constant dense<0.000000e+00> : vector<256x256xf32>
      %dot_general3A_85 = tpu.matmul %div3A_80, %get3A_83, %dot_general3A_84 {dimension_numbers = #tpu.dot_dimension_numbers<[1], [0], [0], [1], [0, 0, 1, 1], [], []>, transpose_lhs_hint = false} : vector<256x256xf32>, vector<256x256xf32>, vector<256x256xf32> -> vector<256x256xf32>
      %get3A_86 = arith.constant 0 : index
      %get3A_87 = arith.constant 0 : index
      %get3A_88 = vector.load %arg31[%get3A_86, %get3A_87] : memref<1x256xf32, #tpu.memory_space<vmem>>, vector<1x256xf32>
      %add3A_89 = vector.broadcast %get3A_88 : vector<1x256xf32> to vector<256x256xf32>
      %add3A_90 = arith.addf %dot_general3A_85, %add3A_89 : vector<256x256xf32>
      %get3A_91 = arith.index_cast %mul3A_10 : i32 to index
      %get3A_92 = arith.constant 0 : index
      %get3A_93 = vector.load %arg35[%get3A_91, %get3A_92] : memref<4096x256xf32, #tpu.memory_space<vmem>>, vector<256x256xf32>
      %add3A_94 = arith.addf %get3A_93, %add3A_90 : vector<256x256xf32>
      %get3A_95 = arith.constant 0 : index
      %get3A_96 = arith.constant 0 : index
      %get3A_97 = vector.load %arg32[%get3A_95, %get3A_96] : memref<1x256xf32, #tpu.memory_space<vmem>>, vector<1x256xf32>
      %get3A_98 = arith.constant 0 : index
      %get3A_99 = arith.constant 0 : index
      %get3A_100 = vector.load %arg33[%get3A_98, %get3A_99] : memref<1x256xf32, #tpu.memory_space<vmem>>, vector<1x256xf32>
      %reduce_sum3A_101 = arith.constant dense<0.000000e+00> : vector<256xf32>
      %reduce_sum3A_102 = vector.multi_reduction <add>, %add3A_94, %reduce_sum3A_101 [1] : vector<256x256xf32> to vector<256xf32>
      %broadcast_in_dim3A_103 = vector.shape_cast %reduce_sum3A_102 : vector<256xf32> to vector<256x1xf32>
      %div3A_104 = arith.constant 2.560000e+02 : f32
      %div3A_105 = vector.broadcast %div3A_104 : f32 to vector<256x1xf32>
      %div3A_106 = arith.divf %broadcast_in_dim3A_103, %div3A_105 : vector<256x1xf32>
      %jit3A_107 = arith.constant 0 : i32
      %reduce_sum3A_108 = arith.constant dense<0.000000e+00> : vector<256xf32>
      %reduce_sum3A_109 = vector.multi_reduction <add>, %add3A_94, %reduce_sum3A_108 [1] : vector<256x256xf32> to vector<256xf32>
      %broadcast_in_dim3A_110 = vector.shape_cast %reduce_sum3A_109 : vector<256xf32> to vector<256x1xf32>
      %div3A_111 = arith.constant 2.560000e+02 : f32
      %div3A_112 = vector.broadcast %div3A_111 : f32 to vector<256x1xf32>
      %div3A_113 = arith.divf %broadcast_in_dim3A_110, %div3A_112 : vector<256x1xf32>
      %sub3A_114 = vector.broadcast %div3A_113 : vector<256x1xf32> to vector<256x256xf32>
      %sub3A_115 = arith.subf %add3A_94, %sub3A_114 : vector<256x256xf32>
      %square3A = arith.mulf %sub3A_115, %sub3A_115 : vector<256x256xf32>
      %convert_element_type3A = arith.sitofp %jit3A_107 : i32 to f32
      %sub3A_116 = arith.constant 2.560000e+02 : f32
      %sub3A_117 = arith.subf %sub3A_116, %convert_element_type3A : f32
      %reduce_sum3A_118 = arith.constant dense<0.000000e+00> : vector<256xf32>
      %reduce_sum3A_119 = vector.multi_reduction <add>, %square3A, %reduce_sum3A_118 [1] : vector<256x256xf32> to vector<256xf32>
      %broadcast_in_dim3A_120 = vector.shape_cast %reduce_sum3A_119 : vector<256xf32> to vector<256x1xf32>
      %div3A_121 = vector.broadcast %sub3A_117 : f32 to vector<256x1xf32>
      %div3A_122 = arith.divf %broadcast_in_dim3A_120, %div3A_121 : vector<256x1xf32>
      %gt3A = arith.constant 0.000000e+00 : f32
      %gt3A_123 = arith.cmpf ogt, %sub3A_117, %gt3A : f32
      %jit3A_124 = arith.constant 0x7FC00000 : f32
      %broadcast_in_dim3A_125 = vector.broadcast %jit3A_124 : f32 to vector<256x1xf32>
      %select_n3A_126 = arith.select %gt3A_123, %div3A_122, %broadcast_in_dim3A_125 : vector<256x1xf32>
      %sub3A_127 = vector.broadcast %div3A_106 : vector<256x1xf32> to vector<256x256xf32>
      %sub3A_128 = arith.subf %add3A_94, %sub3A_127 : vector<256x256xf32>
      %add3A_129 = arith.constant 9.99999974E-6 : f32
      %add3A_130 = vector.broadcast %add3A_129 : f32 to vector<256x1xf32>
      %add3A_131 = arith.addf %select_n3A_126, %add3A_130 : vector<256x1xf32>
      %sqrt3A = math.sqrt %add3A_131 : vector<256x1xf32>
      %div3A_132 = vector.broadcast %sqrt3A : vector<256x1xf32> to vector<256x256xf32>
      %div3A_133 = arith.divf %sub3A_128, %div3A_132 : vector<256x256xf32>
      %mul3A_134 = vector.broadcast %get3A_97 : vector<1x256xf32> to vector<256x256xf32>
      %mul3A_135 = arith.mulf %div3A_133, %mul3A_134 : vector<256x256xf32>
      %add3A_136 = vector.broadcast %get3A_100 : vector<1x256xf32> to vector<256x256xf32>
      %add3A_137 = arith.addf %mul3A_135, %add3A_136 : vector<256x256xf32>
      %swap3A_138 = arith.constant 0 : index
      %swap3A_139 = arith.index_cast %mul3A_10 : i32 to index
      %swap3A_140 = arith.constant 0 : index
      %swap3A_141 = vector.load %arg34[%swap3A_138, %swap3A_139, %swap3A_140] : memref<1x4096x256xf32, #tpu.memory_space<vmem>>, vector<1x256x256xf32>
      %swap3A_142 = vector.shape_cast %swap3A_141 : vector<1x256x256xf32> to vector<256x256xf32>
      %swap3A_143 = vector.shape_cast %add3A_137 : vector<256x256xf32> to vector<1x256x256xf32>
      tpu.vector_store %arg34[%swap3A_138, %swap3A_139, %swap3A_140], %swap3A_143 {strides = array<i32>} : memref<1x4096x256xf32, #tpu.memory_space<vmem>>, vector<1x256x256xf32>,
    }
    %scan3A_8 = arith.constant 16 : i32
    return
  }
  func.func @transform_0(%arg0: i32) -> (i32, i32, i32) {
    %c0_i32 = arith.constant 0 : i32
    %c0_i32_0 = arith.constant 0 : i32
    %c0_i32_1 = arith.constant 0 : i32
    return %arg0, %c0_i32, %c0_i32_0 : i32, i32, i32
  }
  func.func @transform_1(%arg0: i32) -> (i32, i32, i32) {
    %c0_i32 = arith.constant 0 : i32
    %c0_i32_0 = arith.constant 0 : i32
    %c0_i32_1 = arith.constant 0 : i32
    return %arg0, %c0_i32, %c0_i32_0 : i32, i32, i32
  }
  func.func @transform_2(%arg0: i32) -> (i32, i32, i32) {
    %c0_i32 = arith.constant 0 : i32
    %c0_i32_0 = arith.constant 0 : i32
    %c0_i32_1 = arith.constant 0 : i32
    return %arg0, %c0_i32, %c0_i32_0 : i32, i32, i32
  }
  func.func @transform_3(%arg0: i32) -> (i32, i32, i32) {
    %c0_i32 = arith.constant 0 : i32
    %c0_i32_0 = arith.constant 0 : i32
    %c0_i32_1 = arith.constant 0 : i32
    return %arg0, %c0_i32, %c0_i32_0 : i32, i32, i32
  }
  func.func @transform_4(%arg0: i32) -> (i32, i32, i32) {
    %c0_i32 = arith.constant 0 : i32
    %c0_i32_0 = arith.constant 0 : i32
    %c0_i32_1 = arith.constant 0 : i32
    return %arg0, %c0_i32, %c0_i32_0 : i32, i32, i32
  }
  func.func @transform_5(%arg0: i32) -> (i32, i32) {
    %c0_i32 = arith.constant 0 : i32
    %c0_i32_0 = arith.constant 0 : i32
    %c0_i32_1 = arith.constant 0 : i32
    return %c0_i32, %c0_i32_0 : i32, i32
  }
  func.func @transform_6(%arg0: i32) -> (i32, i32) {
    %c0_i32 = arith.constant 0 : i32
    %c0_i32_0 = arith.constant 0 : i32
    %c0_i32_1 = arith.constant 0 : i32
    return %c0_i32, %c0_i32_0 : i32, i32
  }
  func.func @transform_7(%arg0: i32) -> (i32, i32) {
    %c0_i32 = arith.constant 0 : i32
    %c0_i32_0 = arith.constant 0 : i32
    %c0_i32_1 = arith.constant 0 : i32
    return %c0_i32, %c0_i32_0 : i32, i32
  }
  func.func @transform_8(%arg0: i32) -> (i32, i32) {
    %c0_i32 = arith.constant 0 : i32
    %c0_i32_0 = arith.constant 0 : i32
    %c0_i32_1 = arith.constant 0 : i32
    return %c0_i32, %c0_i32_0 : i32, i32
  }
  func.func @transform_9(%arg0: i32) -> (i32, i32) {
    %c0_i32 = arith.constant 0 : i32
    %c0_i32_0 = arith.constant 0 : i32
    %c0_i32_1 = arith.constant 0 : i32
    return %c0_i32, %c0_i32_0 : i32, i32
  }
  func.func @transform_10(%arg0: i32) -> (i32, i32) {
    %c0_i32 = arith.constant 0 : i32
    %c0_i32_0 = arith.constant 0 : i32
    %c0_i32_1 = arith.constant 0 : i32
    return %c0_i32, %c0_i32_0 : i32, i32
  }
  func.func @transform_11(%arg0: i32) -> (i32, i32) {
    %c0_i32 = arith.constant 0 : i32
    %c0_i32_0 = arith.constant 0 : i32
    %c0_i32_1 = arith.constant 0 : i32
    return %c0_i32, %c0_i32_0 : i32, i32
  }
  func.func @transform_12(%arg0: i32) -> (i32, i32) {
    %c0_i32 = arith.constant 0 : i32
    %c0_i32_0 = arith.constant 0 : i32
    %c0_i32_1 = arith.constant 0 : i32
    return %c0_i32, %c0_i32_0 : i32, i32
  }
  func.func @transform_13(%arg0: i32) -> (i32, i32) {
    %c0_i32 = arith.constant 0 : i32
    %c0_i32_0 = arith.constant 0 : i32
    %c0_i32_1 = arith.constant 0 : i32
    return %c0_i32, %c0_i32_0 : i32, i32
  }
  func.func @transform_14(%arg0: i32) -> (i32, i32) {
    %c0_i32 = arith.constant 0 : i32
    %c0_i32_0 = arith.constant 0 : i32
    %c0_i32_1 = arith.constant 0 : i32
    return %c0_i32, %c0_i32_0 : i32, i32
  }
  func.func @transform_15(%arg0: i32) -> (i32, i32) {
    %c0_i32 = arith.constant 0 : i32
    %c0_i32_0 = arith.constant 0 : i32
    %c0_i32_1 = arith.constant 0 : i32
    return %c0_i32, %c0_i32_0 : i32, i32
  }
  func.func @transform_16(%arg0: i32) -> (i32, i32) {
    %c0_i32 = arith.constant 0 : i32
    %c0_i32_0 = arith.constant 0 : i32
    %c0_i32_1 = arith.constant 0 : i32
    return %c0_i32, %c0_i32_0 : i32, i32
  }
  func.func @transform_17(%arg0: i32) -> (i32, i32) {
    %c0_i32 = arith.constant 0 : i32
    %c0_i32_0 = arith.constant 0 : i32
    %c0_i32_1 = arith.constant 0 : i32
    return %c0_i32, %c0_i32_0 : i32, i32
  }
  func.func @transform_18(%arg0: i32) -> (i32, i32) {
    %c0_i32 = arith.constant 0 : i32
    %c0_i32_0 = arith.constant 0 : i32
    %c0_i32_1 = arith.constant 0 : i32
    return %c0_i32, %c0_i32_0 : i32, i32
  }
  func.func @transform_19(%arg0: i32) -> (i32, i32) {
    %c0_i32 = arith.constant 0 : i32
    %c0_i32_0 = arith.constant 0 : i32
    %c0_i32_1 = arith.constant 0 : i32
    return %c0_i32, %c0_i32_0 : i32, i32
  }
  func.func @transform_20(%arg0: i32) -> (i32, i32) {
    %c0_i32 = arith.constant 0 : i32
    %c0_i32_0 = arith.constant 0 : i32
    %c0_i32_1 = arith.constant 0 : i32
    return %c0_i32, %c0_i32_0 : i32, i32
  }
  func.func @transform_21(%arg0: i32) -> (i32, i32) {
    %c0_i32 = arith.constant 0 : i32
    %c0_i32_0 = arith.constant 0 : i32
    %c0_i32_1 = arith.constant 0 : i32
    return %c0_i32, %c0_i32_0 : i32, i32
  }
  func.func @transform_22(%arg0: i32) -> (i32, i32) {
    %c0_i32 = arith.constant 0 : i32
    %c0_i32_0 = arith.constant 0 : i32
    %c0_i32_1 = arith.constant 0 : i32
    return %c0_i32, %c0_i32_0 : i32, i32
  }
  func.func @transform_23(%arg0: i32) -> (i32, i32) {
    %c0_i32 = arith.constant 0 : i32
    %c0_i32_0 = arith.constant 0 : i32
    %c0_i32_1 = arith.constant 0 : i32
    return %c0_i32, %c0_i32_0 : i32, i32
  }
  func.func @transform_24(%arg0: i32) -> (i32, i32) {
    %c0_i32 = arith.constant 0 : i32
    %c0_i32_0 = arith.constant 0 : i32
    %c0_i32_1 = arith.constant 0 : i32
    return %c0_i32, %c0_i32_0 : i32, i32
  }
  func.func @transform_25(%arg0: i32) -> (i32, i32) {
    %c0_i32 = arith.constant 0 : i32
    %c0_i32_0 = arith.constant 0 : i32
    %c0_i32_1 = arith.constant 0 : i32
    return %c0_i32, %c0_i32_0 : i32, i32
  }
  func.func @transform_26(%arg0: i32) -> (i32, i32) {
    %c0_i32 = arith.constant 0 : i32
    %c0_i32_0 = arith.constant 0 : i32
    %c0_i32_1 = arith.constant 0 : i32
    return %c0_i32, %c0_i32_0 : i32, i32
  }
  func.func @transform_27(%arg0: i32) -> (i32, i32) {
    %c0_i32 = arith.constant 0 : i32
    %c0_i32_0 = arith.constant 0 : i32
    %c0_i32_1 = arith.constant 0 : i32
    return %c0_i32, %c0_i32_0 : i32, i32
  }
  func.func @transform_28(%arg0: i32) -> (i32, i32) {
    %c0_i32 = arith.constant 0 : i32
    %c0_i32_0 = arith.constant 0 : i32
    %c0_i32_1 = arith.constant 0 : i32
    return %c0_i32, %c0_i32_0 : i32, i32
  }
  func.func @transform_29(%arg0: i32) -> (i32, i32) {
    %c0_i32 = arith.constant 0 : i32
    %c0_i32_0 = arith.constant 0 : i32
    %c0_i32_1 = arith.constant 0 : i32
    return %c0_i32, %c0_i32_0 : i32, i32
  }
  func.func @transform_30(%arg0: i32) -> (i32, i32) {
    %c0_i32 = arith.constant 0 : i32
    %c0_i32_0 = arith.constant 0 : i32
    %c0_i32_1 = arith.constant 0 : i32
    return %c0_i32, %c0_i32_0 : i32, i32
  }
  func.func @transform_31(%arg0: i32) -> (i32, i32) {
    %c0_i32 = arith.constant 0 : i32
    %c0_i32_0 = arith.constant 0 : i32
    %c0_i32_1 = arith.constant 0 : i32
    return %c0_i32, %c0_i32_0 : i32, i32
  }
  func.func @transform_32(%arg0: i32) -> (i32, i32) {
    %c0_i32 = arith.constant 0 : i32
    %c0_i32_0 = arith.constant 0 : i32
    %c0_i32_1 = arith.constant 0 : i32
    return %c0_i32, %c0_i32_0 : i32, i32
  }
  func.func @transform_33(%arg0: i32) -> (i32, i32, i32) {
    %c0_i32 = arith.constant 0 : i32
    %c0_i32_0 = arith.constant 0 : i32
    %c0_i32_1 = arith.constant 0 : i32
    return %arg0, %c0_i32, %c0_i32_0 : i32, i32, i32
  }
}

</mosaic_0001>

<sc_bundles>
// kernel: kernel.4.cloned.1.call-start
scs
__scs_entry_jumppad:
0x0: {  	(pc) =	sbr.rel $0x88, $3  }
0x1: {  	(tag) =	ssettag $0x0;
	lr =	simm.s32 $0x1  }
0x2: {  	[smem:$0x3F87] =	sst lr;
	_ =	strace $0xD0000000  }
0x3: {  	_ = 	snop  }
0x4: {  	_ = 	snop  }
0x5: {  	_ = 	snop  }
0x6: {  	_ = 	snop  }
0x7: {  	_ = 	snop  }
__scs_overlays_trampoline_lowered:
0x8: {  	[smem:$0x3F96] =	sst s0  }
0x9: {  	[smem:$0x3F97] =	sst s1  }
0xa: {  	[smem:$0x3F98] =	sst s2  }
0xb: {  	[smem:$0x3F99] =	sst s3  }
0xc: {  	[smem:$0x3F9A] =	sst s4  }
0xd: {  	[smem:$0x3F9B] =	sst s5  }
0xe: {  	[smem:$0x3F9C] =	sst s6  }
0xf: {  	[smem:$0x3F9D] =	sst s7  }
0x10: {  	[smem:$0x3F9E] =	sst s8  }
0x11: {  	[smem:$0x3F9F] =	sst s9;
	s0 =	simm.s32 @!p0 $0x0  }
0x12: {  	s1 =	sld [smem:$0x3F85];
	s0 =	simm.s32 @p0 $0x1  }
0x13: {  	[smem:$0x3FA0] =	sst s0;
	s0 =	simm.s32 @!p1 $0x0  }
0x14: {  	s2 =	sld [smem:$0x3F84];
	s0 =	simm.s32 @p1 $0x1  }
0x15: {  	[smem:$0x3FA1] =	sst s0;
	s0 =	simm.s32 @!p2 $0x0  }
0x16: {  	s3 =	sld [smem:$0x3FDB];
	s0 =	simm.s32 @p2 $0x1  }
0x17: {  	s4 =	simm.s32 $0x1BF5;
	[smem:$0x3FA3] =	sst s0  }
0x18: {  	s0 =	sld [smem:$0x3F86];
	_ =	swait.ge [sflag:s4], $0x0  }
0x19: {  	s7 =	sld [smem:$0x3F87]  }
0x1a: {  	s8 =	sadd.s32 $0xFFFFE003, lr  }
0x1b: {  	s9 =	sadd.s32 $0xFFFFFEF7, lr;
	s5 =	simm.s32 $0xFFFFFFFF;
	p2 =	slt.u32 s8, $0xFFFFF086  }
0x1c: {  	p1 =	slt.u32 s9, $0xF7A;
	s5 =	simm.s32 @!p2 $0x0  }
0x1d: {  	s5 =	simm.s32 @p1 $0x1;
	p0 =	seq.s32 s7, s2  }
0x1e: {  	s7 =	smul.u32 @!p0 $0xF7A, s2;
	p2 =	seq.s32 @!p0 s5, $0x0  }
0x1f: {  	s9 =	smul.u32 $0xF7A, s1;
	s8 =	simm.s32 @!p0 $0x1BF5;
	p2 =	por !p2, p0  }
0x20: {  	[sflag:s8] =	ssyncset.s32 @!p0 $0xFFFFF086;
	s6 =	sadd.s32 @!p0 s3, s7;
	s7 =	simm.s32 @!p0 $0x108  }
0x21: {  	s3 =	sadd.s32 s3, s9;
	s6 =	sadd.s32 @!p0 $0x88, s6;
	s7 =	simm.s32 @p2 $0x1082  }
0x22: {  	[simem:s7], [sflag:s8] =	dma.local @!p0 [hbm:s6], $0xF7A  }
0x23: {  	s9 =	sor.u32 $0xD0000000, s2;
	s6 =	simm.s32 $0x108;
	_ =	swait.ge @!p0 [sflag:s8], $0x0  }
0x24: {  	s3 =	sadd.s32 $0x88, s3;
	s6 =	simm.s32 @!p1 $0x1082;
	[sflag:s4] =	ssyncset.s32 $0xFFFFF086  }
0x25: {  	[simem:s6], [sflag:s4] =	dma.local [hbm:s3], $0xF7A  }
0x26: {  	[smem:$0x3F87] =	sst s1;
	(tag) =	ssettag s2;
	_ =	strace s9  }
0x27: {  	s1 =	sld [smem:$0x3F97]  }
0x28: {  	s2 =	sld [smem:$0x3F98]  }
0x29: {  	s4 =	sld [smem:$0x3F9A]  }
0x2a: {  	p0 =	seq.s32 s5, $0x0;
	s5 =	sld [smem:$0x3F9B]  }
0x2b: {  	s6 =	sld [smem:$0x3F9C]  }
0x2c: {  	s7 =	sld [smem:$0x3F9D]  }
0x2d: {  	s3 =	simm.s32 $0x108;
	s8 =	sld [smem:$0x3F9E]  }
0x2e: {  	s3 =	simm.s32 @!p0 $0x1082;
	s9 =	sld [smem:$0x3F9F]  }
0x2f: {  	lr =	sadd.s32 s0, s3;
	s0 =	sld [smem:$0x3F96]  }
0x30: {  	s3 =	sld [smem:$0x3F99]  }
0x31: {  	[smem:$0x3FA2] =	sst s10  }
0x32: {  	s10 =	sld [smem:$0x3FA0];
	_ =	sdelay $0x3  }
0x33: {  	p0 =	seq.s32 s10, $0x1;
	s10 =	sld [smem:$0x3FA2];
	_ =	sdelay $0x3  }
0x34: {  	[smem:$0x3FA2] =	sst s10  }
0x35: {  	s10 =	sld [smem:$0x3FA1];
	_ =	sdelay $0x3  }
0x36: {  	p1 =	seq.s32 s10, $0x1;
	s10 =	sld [smem:$0x3FA2];
	_ =	sdelay $0x3  }
0x37: {  	[smem:$0x3FA2] =	sst s10  }
0x38: {  	s10 =	sld [smem:$0x3FA3]  }
0x39: {  	_ = 	snop;
	(pc) =	sbr.ind lr, $3  }
0x3a: {  	_ = 	snop  }
0x3b: {  	_ = 	snop  }
0x3c: {  	p2 =	seq.s32 s10, $0x1;
	s10 =	sld [smem:$0x3FA2]  }
0x3d: {  	_ =	shalt  }
0x3e: {  	_ =	shalt  }
0x3f: {  	_ =	shalt  }
0x40: {  	_ =	shalt  }
0x41: {  	_ =	shalt  }
0x42: {  	_ =	shalt  }
0x43: {  	_ =	shalt  }
0x44: {  	_ =	shalt  }
0x45: {  	_ =	shalt  }
0x46: {  	_ =	shalt  }
0x47: {  	_ =	shalt  }
0x48: {  	_ =	shalt  }
0x49: {  	_ =	shalt  }
0x4a: {  	_ =	shalt  }
0x4b: {  	_ =	shalt  }
0x4c: {  	_ =	shalt  }
0x4d: {  	_ =	shalt  }
0x4e: {  	_ =	shalt  }
0x4f: {  	_ =	shalt  }
0x50: {  	_ =	shalt  }
0x51: {  	_ =	shalt  }
0x52: {  	_ =	shalt  }
0x53: {  	_ =	shalt  }
0x54: {  	_ =	shalt  }
0x55: {  	_ =	shalt  }
0x56: {  	_ =	shalt  }
0x57: {  	_ =	shalt  }
0x58: {  	_ =	shalt  }
0x59: {  	_ =	shalt  }
0x5a: {  	_ =	shalt  }
0x5b: {  	_ =	shalt  }
0x5c: {  	_ =	shalt  }
0x5d: {  	_ =	shalt  }
0x5e: {  	_ =	shalt  }
0x5f: {  	_ =	shalt  }
0x60: {  	_ =	shalt  }
0x61: {  	_ =	shalt  }
0x62: {  	_ =	shalt  }
0x63: {  	_ =	shalt  }
0x64: {  	_ =	shalt  }
0x65: {  	_ =	shalt  }
0x66: {  	_ =	shalt  }
0x67: {  	_ =	shalt  }
0x68: {  	_ =	shalt  }
0x69: {  	_ =	shalt  }
0x6a: {  	_ =	shalt  }
0x6b: {  	_ =	shalt  }
0x6c: {  	_ =	shalt  }
0x6d: {  	_ =	shalt  }
0x6e: {  	_ =	shalt  }
0x6f: {  	_ =	shalt  }
0x70: {  	_ =	shalt  }
0x71: {  	_ =	shalt  }
0x72: {  	_ =	shalt  }
0x73: {  	_ =	shalt  }
0x74: {  	_ =	shalt  }
0x75: {  	_ =	shalt  }
0x76: {  	_ =	shalt  }
0x77: {  	_ =	shalt  }
0x78: {  	_ =	shalt  }
0x79: {  	_ =	shalt  }
0x7a: {  	_ =	shalt  }
0x7b: {  	_ =	shalt  }
0x7c: {  	_ =	shalt  }
0x7d: {  	_ =	shalt  }
0x7e: {  	_ =	shalt  }
0x7f: {  	_ =	shalt  }
0x80: {  	_ =	shalt  }
0x81: {  	_ =	shalt  }
0x82: {  	_ =	shalt  }
0x83: {  	_ =	shalt  }
0x84: {  	_ =	shalt  }
0x85: {  	_ =	shalt  }
0x86: {  	_ =	shalt  }
0x87: {  	_ =	shalt  }
.Lfunc_end0:
.L_simem_size_0:
called_computation_lowered:
.L_overlay_start_0:
0x88: {  	s2 =	sld [smem:$0x3FD9]  }
0x89: {  	s3 =	sld [smem:$0x3FFE];
	_ =	sdelay $0x1  }
0x8a: {  	s1 =	srdreg.scid  }
0x8b: {  	s0 =	sand.u32 $0x1, s1  }
0x8c: {  	s17 =	sshll.u32 s0, $0xA;
	s2 =	sadd.s32 s3, s2  }
0x8d: {  	s2 =	sadd.s32 s2, s17  }
0x8e: {  	[smem:$0x3FAE] =	sst s2  }
0x8f: {  	_ = 	snop  }
0x90: {  	s2 =	sld [smem:$0x3FD0];
	(tm) =	ssettm $0x1  }
0x91: {  	s18 =	sld [smem:$0x3FFB];
	_ =	sdelay $0x3  }
0x92: {  	_ =	strace s18  }
0x93: {  	s3 =	sld [smem:$0x3FFC];
	_ =	sdelay $0x3  }
0x94: {  	_ =	strace s3  }
0x95: {  	s3 =	sld [smem:$0x3FFD];
	_ =	sdelay $0x3  }
0x96: {  	_ =	strace s3  }
0x97: {  	_ =	strace $0x8FFFFFFF  }
0x98: {  	s19 =	sld [smem:$0x3FDB];
	_ =	sdelay $0x1  }
0x99: {  	s4 =	simm.s32 $_scs_section_size  }
0x9a: {  	s5 =	simm.s32 $_size__tile_overlayer_lowered;
	s6 =	simm.s32 $_tile_overlayer_lowered  }
0x9b: {  	s22 =	simm.s32 $0x1BFF;
	s21 =	sshll.u32 s6, $0x1;
	s3 =	sadd.s32 s4, s19  }
0x9c: {  	s7 =	simm.s32 $0x0;
	s20 =	sshll.u32 s5, $0x1;
	s5 =	sadd.s32 s21, s3  }
0x9d: {  	[timem:s7], [sflag:s22] =	dma.local [hbm:s5], s20  }
0x9e: {  	_ =	swait.ge [sflag:s22], s20  }
0x9f: {  	s4 =	ssub.s32 $0x0, s20;
	[sflag:s22] =	ssyncset.done $0x0  }
0xa0: {  	[sflag:s22] =	ssyncadd.s32 s4;
	_ =	sdelay $0x1  }
0xa1: {  	s23 =	simm.s32 $0x1B8B  }
0xa2: {  	_ =	swait.ge [sflag:s23], $0x1  }
0xa3: {  	[sflag:s23] =	ssyncset.done $0x0  }
0xa4: {  	s25 =	simm.s32 $0x1B8E;
	s24 =	sld [smem:$0x3FFE];
	[sflag:s23] =	ssyncadd.s32 $0xFFFFFFFF  }
0xa5: {  	s26 =	simm.s32 $execute0_lowered;
	[smem:$0x3FD2] =	sst s25  }
0xa6: {  	s5 =	sshll.u32 s26, $0x1;
	_ =	strace $0x80000046;
	[dreg:$0x1] =	wrdreg $0xFFFFFFFF  }
0xa7: {  	s28 =	simm.s32 $_size_execute0_lowered;
	s3 =	sadd.s32 s3, s5;
	[dreg:$0x0] =	wrdreg $0x0  }
0xa8: {  	s5 =	sshll.u32 s28, $0x1;
	[dreg:$0x2] =	wrdreg s3  }
0xa9: {  	[dreg:$0x3] =	wrdreg s5  }
0xaa: {  	[dreg:$0x4] =	wrdreg $0xC0  }
0xab: {  	_ =	task [dreg:s7], $0x5FFFF  }
0xac: {  	[dreg:$0x1] =	wrdreg $0xFFFFFFFF  }
0xad: {  	[dreg:$0x0] =	wrdreg $0x60  }
0xae: {  	[dreg:$0x2] =	wrdreg s2  }
0xaf: {  	[dreg:$0x3] =	wrdreg s24  }
0xb0: {  	[dreg:$0x4] =	wrdreg $0xD2000  }
0xb1: {  	[dreg:$0x5] =	wrdreg $0x9  }
0xb2: {  	_ =	task.clear_ibuf [dreg:s7], $0x6FFFF;
	_ =	strace $0x90000046  }
0xb3: {  	s29 =	simm.s32 $0x9;
	_ =	strace $0x80000048  }
0xb4: {  	_ =	swait.ge [sflag:s29], $0x1  }
0xb5: {  	[sflag:s29] =	ssyncadd.s32 $0xFFFFFFFF  }
0xb6: {  	_ =	strace $0x90000048  }
0xb7: {  	_ =	sfence  }
0xb8: {  	s30 =	sld [smem:$0x0];
	_ =	sdelay $0x2  }
0xb9: {  	s31 =	sshll.u32 s1, $0xD;
	s1 =	sshrl.u32 s1, $0x2  }
0xba: {  	s3 =	sand.u32 $0x4000, s31;
	s1 =	sadd.s32 s1, s30  }
0xbb: {  	s0 =	sor.u32 s3, s0;
	s1 =	sshll.u32 s1, $0x11  }
0xbc: {  	s0 =	sor.u32 s1, s0  }
0xbd: {  	s0 =	sadd.s32 $0x8F2B, s0  }
0xbe: {  	[sflag:s0] =	ssyncadd.remote.s32 $0x1  }
0xbf: {  	_ =	sfence.sel $0xFFFF  }
0xc0: {  	[dreg:$0x0] =	wrdreg $0xFFFFFFFF;
	(pc) =	sbr.abs _section_cstart, $3  }
0xc1: {  	[dreg:$0x1] =	wrdreg $0xFFFFFFFF  }
0xc2: {  	_ =	task.clear_ibuf [dreg:s7], $0x2FFFF;
	_ =	strace $0x9FFFFFFF  }
0xc3: {  	(tm) =	ssettm $0x7FFFFFFF  }
tec
execute0_lowered:
.L_overlay_start_1:
0x0: {  	(tag) =	ssettag $0x1  }
0x1: {  	s4 =	rddreg [dreg:$0x0]  }
0x2: {  	s0 =	srdreg.scid;
	s7 =	rddreg [dreg:$0x1]  }
0x3: {  	s5 =	stileid.u32;
	s3 =	rddreg [dreg:$0x2];
	s20 =	simm.s32 $0x8000  }
0x4: {  	s19 =	simm.s32 $0x8080;
	s21 =	simm.s32 $0x4000;
	s14 =	simm.s32 $0xC200  }
0x5: {  	s13 =	simm.s32 $0x8180;
	p1 =	por $0x0, $0x0;
	s6 =	sand.u32 $0x1, s0  }
0x6: {  	s1 =	sshll.u32 s5, $0x1;
	s9 =	sshll.u32 s5, $0x5;
	s17 =	sadd.s32 $0x4A00, s7  }
0x7: {  	s29 =	sshll.u32 s5, $0x9;
	s30 =	sshll.u32 s5, $0xC;
	p0 =	sne.s32 s5, $0x0  }
0x8: {  	s5 =	simm.s32 $0x2;
	s0 =	sshll.u32 s6, $0x5;
	s9 =	sand.u32 $0x60, s9  }
0x9: {  	s28 =	ssub.s32 $0x2, s6;
	s6 =	sshll.u32 s6, $0xD;
	s22 =	sshrl.u32 @!p0 s3, $0x3  }
0xa: {  	s2 =	sor.u32 s1, s0;
	s0 =	rddreg [dreg:$0x3];
	s11 =	sshrl.u32 s28, $0x1  }
0xb: {  	s1 =	simm.s32 $0x0;
	s8 =	sshll.u32 s2, $0x4;
	s12 =	ssub.s32 s28, s11  }
0xc: {  	[smem:$0x7FF] =	sst s1;
	s10 =	sshll.u32 s2, $0xB;
	s31 =	smax.u32 s12, $0x1  }
0xd: {  	s2 =	sadd.s32 $0x6A00, s7;
	s11 =	sadd.s32 s30, s3;
	s25 =	sadd.s32 $0xFFFFFFFF, s31  }
0xe: {  	s8 =	sand.u32 $0x380, s8;
	_ =	strace $0x80000047;
	p2 =	sne.s32 s25, $0x0  }
.Ltmp0:
0xf: {  	s18 =	sadd.s32 s4, s10;
	s4 =	sadd.s32 s2, s29;
	(pc) =	sbr.rel @!p2 .LBB2_3-.Ltmp0, $4  }
0x10: {  	s12 =	simm.s32 $0x8100;
	s8 =	sor.u32 s9, s8;
	s9 =	sadd.s32 s6, s4  }
0x11: {  	s8 =	sadd.s32 s8, s7;
	s7 =	sadd.s32 s10, s7;
	s10 =	simm.s32 $0x1  }
0x12: {  	s15 =	sadd.s32 $0x4200, s8;
	s16 =	sadd.s32 $0x4600, s8;
	s6 =	sadd.s32 $0xAA00, s7  }
0x13: {  	s4 =	sadd.s32 $0xB200, s7;
	s7 =	simm.s32 $0x80;
	s8 =	simm.s32 $0x8200  }
0x14: {  	s23 =	simm.s32 @!p0 $0x1C02;
	s24 =	simm.s32 @!p0 $0x2  }
0x15: {  	[spmem:s22], [sflag:s23] =	dma.local @!p0 [hbm:s17], $0x2000  }
0x16: {  	_ =	swait.ge @!p0 [sflag:s24], $0x2000  }
0x17: {  	[sflag:s24] =	ssyncset.done @!p0 $0x0  }
0x18: {  	[sflag:s24] =	ssyncadd.s32 @!p0 $0xFFFFE000  }
0x19: {  	[bflag:$0x0] =	sbarrier.arrive $0xFFFF  }
0x1a: {  	[tilespmem:s1], [sflag:$0x2] =	stream.linear.gather [hbm4b:s18+s1], $0x8000, $0x38;
	[tilespmem:$0xE200] =	vst v63  }
0x1b: {  	_ =	swait.ge [sflag:s5], $0x8000  }
0x1c: {  	[sflag:s5] =	ssyncset.done $0x0  }
0x1d: {  	[sflag:s5] =	ssyncadd.s32 $0xFFFF8000  }
0x1e: {  	[tilespmem:s20], [sflag:$0x2] =	stream.linear.gather [hbm4b:s15+s1], $0x100, $0x38;
	[tilespmem:$0xE200] =	vst v63  }
0x1f: {  	_ =	swait.ge [sflag:s5], $0x100  }
0x20: {  	[sflag:s5] =	ssyncset.done $0x0  }
0x21: {  	[sflag:s5] =	ssyncadd.s32 $0xFFFFFF00  }
0x22: {  	[tilespmem:s12], [sflag:$0x2] =	stream.linear.gather [hbm4b:s16+s1], $0x100, $0x38;
	[tilespmem:$0xE200] =	vst v63  }
0x23: {  	_ =	swait.ge [sflag:s5], $0x100  }
0x24: {  	[sflag:s5] =	ssyncset.done $0x0  }
0x25: {  	[sflag:s5] =	ssyncadd.s32 $0xFFFFFF00  }
0x26: {  	[spmem:s3] =	stream.indirect.scatter.add.f32 [tilespmem:s1], [sflag:$0x2], $0x80, s20, s7, $0xb8;
	[tilespmem:$0xE200] =	vst v63  }
0x27: {  	_ =	swait.ge [sflag:s5], $0x4000  }
0x28: {  	[sflag:s5] =	ssyncset.done $0x0  }
0x29: {  	[sflag:s5] =	ssyncadd.s32 $0xFFFFC000  }
0x2a: {  	[spmem:s3] =	stream.indirect.scatter.add.f32 [tilespmem:s21], [sflag:$0x2], $0x80, s19, s7, $0xb8;
	[tilespmem:$0xE200] =	vst v63  }
0x2b: {  	_ =	swait.ge [sflag:s5], $0x4000  }
0x2c: {  	[sflag:s5] =	ssyncset.done $0x0  }
0x2d: {  	[sflag:s5] =	ssyncadd.s32 $0xFFFFC000  }
0x2e: {  	[bflag:$0x0] =	sbarrier.arrive $0xFFFF  }
0x2f: {  	[tilespmem:s14], [sflag:$0x2] =	stream.linear.gather [spmem:s11], $0x1000, $0x38;
	[tilespmem:$0xE200] =	vst v63  }
0x30: {  	_ =	swait.ge [sflag:s5], $0x1000  }
0x31: {  	[sflag:s5] =	ssyncset.done $0x0  }
0x32: {  	[sflag:s5] =	ssyncadd.s32 $0xFFFFF000  }
0x33: {  	[hbm4b:s9+s1] =	stream.linear.scatter [tilespmem:s14], [sflag:$0x2], $0x1000, $0x38;
	[tilespmem:$0xE200] =	vst v63  }
0x34: {  	_ =	swait.ge [sflag:s5], $0x1000  }
0x35: {  	[sflag:s5] =	ssyncset.done $0x0  }
0x36: {  	[sflag:s5] =	ssyncadd.s32 $0xFFFFF000  }
0x37: {  	[bflag:$0x0] =	sbarrier.arrive $0xFFFF  }
0x38: {  	[tilespmem:s8], [sflag:$0x1] =	stream.indirect.gather [hbm4b:s2+s7], $0x80, s12, s7, $0xb8;
	[tilespmem:$0xE200] =	vst v63  }
0x39: {  	_ =	swait.ge [sflag:s10], $0x4000  }
0x3a: {  	[sflag:s10] =	ssyncset.done $0x0  }
0x3b: {  	[sflag:s10] =	ssyncadd.s32 $0xFFFFC000  }
0x3c: {  	[hbm4b:s6+s1] =	stream.linear.scatter [tilespmem:s8], [sflag:$0x2], $0x4000, $0x38;
	[tilespmem:$0xE200] =	vst v63  }
0x3d: {  	_ =	swait.ge [sflag:s5], $0x4000  }
0x3e: {  	[sflag:s5] =	ssyncset.done $0x0  }
0x3f: {  	s25 =	sadd.s32 $0xFFFFFFFF, s25;
	[sflag:s5] =	ssyncadd.s32 $0xFFFFC000  }
0x40: {  	[tilespmem:s8], [sflag:$0x1] =	stream.indirect.gather [hbm4b:s2+s7], $0x80, s13, s7, $0xb8;
	[tilespmem:$0xE200] =	vst v63  }
0x41: {  	p2 =	sne.s32 s25, $0x0;
	_ =	swait.ge [sflag:s10], $0x4000  }
.Ltmp1:
0x42: {  	[sflag:s10] =	ssyncset.done $0x0;
	(pc) =	sbr.rel @!p2 .LBB2_3-.Ltmp1, $4  }
0x43: {  	[sflag:s10] =	ssyncadd.s32 $0xFFFFC000  }
0x44: {  	[hbm4b:s4+s1] =	stream.linear.scatter [tilespmem:s8], [sflag:$0x2], $0x4000, $0x38;
	[tilespmem:$0xE200] =	vst v63  }
0x45: {  	_ =	swait.ge [sflag:s5], $0x4000  }
0x46: {  	p1 =	por $0x1, $0x1;
	[sflag:s5] =	ssyncset.done $0x0  }
.LBB2_2:
0x47: {  	[sflag:s5] =	ssyncadd.s32 $0xFFFFC000  }
0x48: {  	[spmem:s22], [sflag:s23] =	dma.local @!p0 [hbm:s17], $0x2000  }
0x49: {  	s25 =	sadd.s32 $0xFFFFFFFF, s25;
	_ =	swait.ge @!p0 [sflag:s24], $0x2000  }
0x4a: {  	p2 =	sne.s32 s25, $0x0;
	[sflag:s24] =	ssyncset.done @!p0 $0x0  }
0x4b: {  	[sflag:s24] =	ssyncadd.s32 @!p0 $0xFFFFE000  }
0x4c: {  	[bflag:$0x0] =	sbarrier.arrive $0xFFFF  }
0x4d: {  	[tilespmem:s1], [sflag:$0x2] =	stream.linear.gather [hbm4b:s18+s1], $0x8000, $0x38;
	[tilespmem:$0xE200] =	vst v63  }
0x4e: {  	_ =	swait.ge [sflag:s5], $0x8000  }
0x4f: {  	[sflag:s5] =	ssyncset.done $0x0  }
0x50: {  	[sflag:s5] =	ssyncadd.s32 $0xFFFF8000  }
0x51: {  	[tilespmem:s20], [sflag:$0x2] =	stream.linear.gather [hbm4b:s15+s1], $0x100, $0x38;
	[tilespmem:$0xE200] =	vst v63  }
0x52: {  	_ =	swait.ge [sflag:s5], $0x100  }
0x53: {  	[sflag:s5] =	ssyncset.done $0x0  }
0x54: {  	[sflag:s5] =	ssyncadd.s32 $0xFFFFFF00  }
0x55: {  	[tilespmem:s12], [sflag:$0x2] =	stream.linear.gather [hbm4b:s16+s1], $0x100, $0x38;
	[tilespmem:$0xE200] =	vst v63  }
0x56: {  	_ =	swait.ge [sflag:s5], $0x100  }
0x57: {  	[sflag:s5] =	ssyncset.done $0x0  }
0x58: {  	[sflag:s5] =	ssyncadd.s32 $0xFFFFFF00  }
0x59: {  	[spmem:s3] =	stream.indirect.scatter.add.f32 [tilespmem:s1], [sflag:$0x2], $0x80, s20, s7, $0xb8;
	[tilespmem:$0xE200] =	vst v63  }
0x5a: {  	_ =	swait.ge [sflag:s5], $0x4000  }
0x5b: {  	[sflag:s5] =	ssyncset.done $0x0  }
0x5c: {  	[sflag:s5] =	ssyncadd.s32 $0xFFFFC000  }
0x5d: {  	[spmem:s3] =	stream.indirect.scatter.add.f32 [tilespmem:s21], [sflag:$0x2], $0x80, s19, s7, $0xb8;
	[tilespmem:$0xE200] =	vst v63  }
0x5e: {  	_ =	swait.ge [sflag:s5], $0x4000  }
0x5f: {  	[sflag:s5] =	ssyncset.done $0x0  }
0x60: {  	[sflag:s5] =	ssyncadd.s32 $0xFFFFC000  }
0x61: {  	[bflag:$0x0] =	sbarrier.arrive $0xFFFF  }
0x62: {  	[tilespmem:s14], [sflag:$0x2] =	stream.linear.gather [spmem:s11], $0x1000, $0x38;
	[tilespmem:$0xE200] =	vst v63  }
0x63: {  	_ =	swait.ge [sflag:s5], $0x1000  }
0x64: {  	[sflag:s5] =	ssyncset.done $0x0  }
0x65: {  	[sflag:s5] =	ssyncadd.s32 $0xFFFFF000  }
0x66: {  	[hbm4b:s9+s1] =	stream.linear.scatter [tilespmem:s14], [sflag:$0x2], $0x1000, $0x38;
	[tilespmem:$0xE200] =	vst v63  }
0x67: {  	_ =	swait.ge [sflag:s5], $0x1000  }
0x68: {  	[sflag:s5] =	ssyncset.done $0x0  }
0x69: {  	[sflag:s5] =	ssyncadd.s32 $0xFFFFF000  }
0x6a: {  	[bflag:$0x0] =	sbarrier.arrive $0xFFFF  }
0x6b: {  	[tilespmem:s8], [sflag:$0x1] =	stream.indirect.gather [hbm4b:s2+s7], $0x80, s12, s7, $0xb8;
	[tilespmem:$0xE200] =	vst v63  }
0x6c: {  	_ =	swait.ge [sflag:s10], $0x4000  }
0x6d: {  	[sflag:s10] =	ssyncset.done $0x0  }
0x6e: {  	[sflag:s10] =	ssyncadd.s32 $0xFFFFC000  }
0x6f: {  	[hbm4b:s6+s1] =	stream.linear.scatter [tilespmem:s8], [sflag:$0x2], $0x4000, $0x38;
	[tilespmem:$0xE200] =	vst v63  }
0x70: {  	_ =	swait.ge [sflag:s5], $0x4000  }
0x71: {  	[sflag:s5] =	ssyncset.done $0x0  }
0x72: {  	[sflag:s5] =	ssyncadd.s32 $0xFFFFC000  }
0x73: {  	[tilespmem:s8], [sflag:$0x1] =	stream.indirect.gather [hbm4b:s2+s7], $0x80, s13, s7, $0xb8;
	[tilespmem:$0xE200] =	vst v63  }
0x74: {  	_ =	swait.ge [sflag:s10], $0x4000  }
.Ltmp2:
0x75: {  	[sflag:s10] =	ssyncset.done $0x0;
	(pc) =	sbr.rel @p2 .LBB2_2-.Ltmp2, $4  }
0x76: {  	[sflag:s10] =	ssyncadd.s32 $0xFFFFC000  }
0x77: {  	[hbm4b:s4+s1] =	stream.linear.scatter [tilespmem:s8], [sflag:$0x2], $0x4000, $0x38;
	[tilespmem:$0xE200] =	vst v63  }
0x78: {  	_ =	swait.ge [sflag:s5], $0x4000  }
0x79: {  	[sflag:s5] =	ssyncset.done $0x0  }
.LBB2_3:
0x7a: {  	s23 =	simm.s32 @!p0 $0x1C02;
	s24 =	simm.s32 @!p0 $0x2;
	[sflag:s5] =	ssyncadd.s32 @p1 $0xFFFFC000  }
0x7b: {  	[spmem:s22], [sflag:s23] =	dma.local @!p0 [hbm:s17], $0x2000  }
0x7c: {  	_ =	swait.ge @!p0 [sflag:s24], $0x2000  }
0x7d: {  	[sflag:s24] =	ssyncset.done @!p0 $0x0  }
0x7e: {  	[sflag:s24] =	ssyncadd.s32 @!p0 $0xFFFFE000  }
0x7f: {  	[bflag:$0x0] =	sbarrier.arrive $0xFFFF  }
0x80: {  	[tilespmem:s1], [sflag:$0x2] =	stream.linear.gather [hbm4b:s18+s1], $0x8000, $0x38;
	[tilespmem:$0xE200] =	vst v63  }
0x81: {  	_ =	swait.ge [sflag:s5], $0x8000  }
0x82: {  	[sflag:s5] =	ssyncset.done $0x0  }
0x83: {  	[sflag:s5] =	ssyncadd.s32 $0xFFFF8000  }
0x84: {  	[tilespmem:s20], [sflag:$0x2] =	stream.linear.gather [hbm4b:s15+s1], $0x100, $0x38;
	[tilespmem:$0xE200] =	vst v63  }
0x85: {  	_ =	swait.ge [sflag:s5], $0x100  }
0x86: {  	[sflag:s5] =	ssyncset.done $0x0  }
0x87: {  	[sflag:s5] =	ssyncadd.s32 $0xFFFFFF00  }
0x88: {  	[tilespmem:s12], [sflag:$0x2] =	stream.linear.gather [hbm4b:s16+s1], $0x100, $0x38;
	[tilespmem:$0xE200] =	vst v63  }
0x89: {  	_ =	swait.ge [sflag:s5], $0x100  }
0x8a: {  	[sflag:s5] =	ssyncset.done $0x0  }
0x8b: {  	[sflag:s5] =	ssyncadd.s32 $0xFFFFFF00  }
0x8c: {  	[spmem:s3] =	stream.indirect.scatter.add.f32 [tilespmem:s1], [sflag:$0x2], $0x80, s20, s7, $0xb8;
	[tilespmem:$0xE200] =	vst v63  }
0x8d: {  	_ =	swait.ge [sflag:s5], $0x4000  }
0x8e: {  	[sflag:s5] =	ssyncset.done $0x0  }
0x8f: {  	[sflag:s5] =	ssyncadd.s32 $0xFFFFC000  }
0x90: {  	[spmem:s3] =	stream.indirect.scatter.add.f32 [tilespmem:s21], [sflag:$0x2], $0x80, s19, s7, $0xb8;
	[tilespmem:$0xE200] =	vst v63  }
0x91: {  	_ =	swait.ge [sflag:s5], $0x4000  }
0x92: {  	[sflag:s5] =	ssyncset.done $0x0  }
0x93: {  	[sflag:s5] =	ssyncadd.s32 $0xFFFFC000  }
0x94: {  	[bflag:$0x0] =	sbarrier.arrive $0xFFFF  }
0x95: {  	[tilespmem:s14], [sflag:$0x2] =	stream.linear.gather [spmem:s11], $0x1000, $0x38;
	[tilespmem:$0xE200] =	vst v63  }
0x96: {  	_ =	swait.ge [sflag:s5], $0x1000  }
0x97: {  	[sflag:s5] =	ssyncset.done $0x0  }
0x98: {  	[sflag:s5] =	ssyncadd.s32 $0xFFFFF000  }
0x99: {  	[hbm4b:s9+s1] =	stream.linear.scatter [tilespmem:s14], [sflag:$0x2], $0x1000, $0x38;
	[tilespmem:$0xE200] =	vst v63  }
0x9a: {  	_ =	swait.ge [sflag:s5], $0x1000  }
0x9b: {  	[sflag:s5] =	ssyncset.done $0x0  }
0x9c: {  	[sflag:s5] =	ssyncadd.s32 $0xFFFFF000  }
0x9d: {  	[bflag:$0x0] =	sbarrier.arrive $0xFFFF  }
0x9e: {  	[tilespmem:s8], [sflag:$0x1] =	stream.indirect.gather [hbm4b:s2+s7], $0x80, s12, s7, $0xb8;
	[tilespmem:$0xE200] =	vst v63  }
0x9f: {  	_ =	swait.ge [sflag:s10], $0x4000  }
0xa0: {  	[sflag:s10] =	ssyncset.done $0x0  }
0xa1: {  	[sflag:s10] =	ssyncadd.s32 $0xFFFFC000  }
0xa2: {  	[hbm4b:s6+s1] =	stream.linear.scatter [tilespmem:s8], [sflag:$0x2], $0x4000, $0x38;
	[tilespmem:$0xE200] =	vst v63  }
0xa3: {  	_ =	swait.ge [sflag:s5], $0x4000  }
0xa4: {  	[sflag:s5] =	ssyncset.done $0x0  }
0xa5: {  	[sflag:s5] =	ssyncadd.s32 $0xFFFFC000  }
0xa6: {  	[tilespmem:s8], [sflag:$0x1] =	stream.indirect.gather [hbm4b:s2+s7], $0x80, s13, s7, $0xb8;
	[tilespmem:$0xE200] =	vst v63  }
0xa7: {  	_ =	swait.ge [sflag:s10], $0x4000  }
0xa8: {  	[sflag:s10] =	ssyncset.done $0x0  }
0xa9: {  	[sflag:s10] =	ssyncadd.s32 $0xFFFFC000  }
0xaa: {  	[hbm4b:s4+s1] =	stream.linear.scatter [tilespmem:s8], [sflag:$0x2], $0x4000, $0x38;
	[tilespmem:$0xE200] =	vst v63  }
0xab: {  	_ =	swait.ge [sflag:s5], $0x4000  }
0xac: {  	[sflag:s5] =	ssyncset.done $0x0  }
0xad: {  	[sflag:s5] =	ssyncadd.s32 $0xFFFFC000  }
0xae: {  	_ =	sfence.sel $0x180000  }
0xaf: {  	[bflag:$0x0] =	sbarrier.arrive $0xFFFF  }
0xb0: {  	_ =	strace $0x90000047  }
0xb1: {  	s0 =	sadd.s32 @!p0 $0x100000, s0;
	[bflag:$0x2] =	sbarrier.arrive $0xFFFF  }
0xb2: {  	[sflag:s0] =	ssyncadd.tile.s32 @!p0 $0x1;
	_ =	shalt  }
.Lfunc_end2:
_tile_overlayer_lowered:
.L_overlay_start_2:
0xb3: {  	(tag) =	ssettag $0x2  }
0xb4: {  	s0 =	rddreg [dreg:$0x0];
	s2 =	stileid.u32  }
0xb5: {  	s1 =	rddreg [dreg:$0x1];
	p0 =	sne.s32 s2, $0x0  }
0xb6: {  	s3 =	rddreg [dreg:$0x2];
	[bflag:$0x3] =	sbarrier.arrive $0xFFFF;
	s2 =	simm.s32 @!p0 $0x1C02  }
0xb7: {  	[timem:s3], [sflag:s2] =	dma.local @!p0 [hbm:s0], s1  }
0xb8: {  	s0 =	simm.s32 @!p0 $0x2  }
0xb9: {  	_ =	swait.ge @!p0 [sflag:s0], s1  }
0xba: {  	s1 =	ssub.s32 @!p0 $0x0, s1;
	[sflag:s0] =	ssyncset.done @!p0 $0x0  }
0xbb: {  	[sflag:s0] =	ssyncadd.s32 @!p0 s1  }
0xbc: {  	[bflag:$0x3] =	sbarrier.arrive $0xFFFF  }
0xbd: {  	_ =	shalt  }

</sc_bundles>
